<compile_context>
chip_gen: v7x
topology: tpu7x:2x2x1
jax: 0.10.2.dev20260603
libtpu: 0.0.44.dev20260713+nightly
codegen_flags: <defaults>
</compile_context>

<pallas_src>
import functools

import jax
import jax.numpy as jnp
from jax import lax
from jax.experimental import pallas as pl
from jax.experimental.pallas import tpu as pltpu
from jax.experimental.pallas import tpu_sc as plsc

_DIMS = 64
_VOCAB = 100000
_VPAD = 100096
_TBLOCK = 4352


def _table_body(w_ref, b_ref, out_ref):
    out_ref[:, 0:_DIMS] = w_ref[...].T + b_ref[...]
    out_ref[:, _DIMS:128] = jnp.zeros((out_ref.shape[0], 128 - _DIMS),
                                      jnp.float32)


def _build_table(W, b):
    grid = (_VPAD // _TBLOCK,)
    Wp = jnp.pad(W, ((0, 0), (0, _VPAD - _VOCAB)))
    return pl.pallas_call(
        _table_body,
        grid=grid,
        in_specs=[
            pl.BlockSpec((_DIMS, _TBLOCK), lambda j: (0, j)),
            pl.BlockSpec((1, _DIMS), lambda j: (0, 0)),
        ],
        out_specs=pl.BlockSpec((_TBLOCK, 128), lambda j: (j, 0)),
        out_shape=jax.ShapeDtypeStruct((_VPAD, 128), jnp.float32),
    )(Wp, b.reshape(1, _DIMS))


@functools.lru_cache(maxsize=None)
def _make_gather(batch, fields):
    info = plsc.get_sparse_core_info()
    NC, NS = info.num_cores, info.num_subcores
    NW = NC * NS
    CB = 64
    K = CB * fields // 128
    assert CB * fields % 128 == 0
    b_per_w = batch // NW
    n_chunks = b_per_w // CB
    assert b_per_w % CB == 0
    mesh = plsc.VectorSubcoreMesh(core_axis_name="c", subcore_axis_name="s")

    @functools.partial(
        pl.kernel,
        mesh=mesh,
        out_type=jax.ShapeDtypeStruct((batch * fields, _DIMS), jnp.float32),
        scratch_types=[
            pltpu.VMEM((K, 128), jnp.int32),
            pltpu.VMEM((CB * fields, _DIMS), jnp.float32),
            pltpu.SemaphoreType.DMA,
            pltpu.SemaphoreType.DMA,
        ],
        compiler_params=pltpu.CompilerParams(use_tc_tiling_on_sc=False),
    )
    def gather_kernel(table_hbm, idx_hbm, out_hbm, idx_v, rows_v, sem, sem2):
        wid = lax.axis_index("s") * NC + lax.axis_index("c")
        b_base = wid * b_per_w
        i_base = wid * (b_per_w * fields // 128)

        KA = (K + 1) // 2

        def body(i, carry):
            b0 = b_base + i * CB
            pltpu.sync_copy(idx_hbm.at[pl.ds(i_base + i * K, K)], idx_v)
            ga = [
                pltpu.async_copy(
                    table_hbm.at[idx_v.at[j]],
                    rows_v.at[pl.ds(j * 128, 128)],
                    sem,
                )
                for j in range(KA)
            ]
            for cp in ga:
                cp.wait()
            out_a = pltpu.async_copy(
                rows_v.at[pl.ds(0, KA * 128)],
                out_hbm.at[pl.ds(b0 * fields, KA * 128)],
                sem2,
            )
            gb = [
                pltpu.async_copy(
                    table_hbm.at[idx_v.at[j]],
                    rows_v.at[pl.ds(j * 128, 128)],
                    sem,
                )
                for j in range(KA, K)
            ]
            for cp in gb:
                cp.wait()
            out_b = pltpu.async_copy(
                rows_v.at[pl.ds(KA * 128, (K - KA) * 128)],
                out_hbm.at[pl.ds(b0 * fields + KA * 128, (K - KA) * 128)],
                sem2,
            )
            out_a.wait()
            out_b.wait()
            return carry

        lax.fori_loop(0, n_chunks, body, 0)

    return gather_kernel


def kernel(x, W, b):
    table = _build_table(W, b).reshape(2 * _VPAD, _DIMS)
    batch, fields = x.shape
    idx2 = (x * 2).reshape(batch * fields // 128, 128)
    out2 = _make_gather(batch, fields)(table, idx2)
    return out2.reshape(batch, fields, _DIMS)

# --- scband reference (transcript-rebuilt; emitter-appended) ---
"""Pipeline reference for scband-dfc-83580063580960 (READ-ONLY COPY).

The authoritative reference and input builder live on the scoring server;
editing this copy changes nothing except your own understanding.
"""

import jax, jax.numpy as jnp
import numpy as np

N_VOCAB = 100000
DIMS = 64
BATCH = 16384
FIELDS = 26


def setup_inputs(seed: int = 0) -> dict:
    key = jax.random.key(seed)
    k1, k2, k3 = jax.random.split(key, 3)
    x = jax.random.randint(k1, (BATCH, FIELDS), 0, N_VOCAB, dtype=jnp.int32)
    # torch.nn.Linear default init: U(-1/sqrt(in_features), 1/sqrt(in_features))
    bound = 1.0 / np.sqrt(N_VOCAB)
    W = jax.random.uniform(k2, (DIMS, N_VOCAB), minval=-bound, maxval=bound, dtype=jnp.float32)
    b = jax.random.uniform(k3, (DIMS,), minval=-bound, maxval=bound, dtype=jnp.float32)
    return {"x": x, "W": W, "b": b}


def reference(x, W, b):
    # Original torch module: one_hot(x, n).float() @ W.T + b
    # one_hot matmul is mathematically identical to an embedding gather of W.T rows:
    #   out[..., :] = W[:, x[...]] + b == W.T[x] + b
    W_T = jnp.transpose(W)          # [n, dims]
    out = jnp.take(W_T, x, axis=0)  # gather -> SparseCore-friendly embedding lookup
    return out + b

if __name__ == "__main__":
    import jax
    _d = setup_inputs()
    print(jax.jit(kernel)(*tuple(_d.values())))

</pallas_src>

<mosaic_0001>
#map = affine_map<(d0, d1) -> (0, 0)>
module attributes {stable_mosaic.version = 14 : i64} {
  func.func @gather_kernel(%arg0: i32, %arg1: i32, %arg2: memref<200192x64xf32, #tpu.memory_space<hbm>>, %arg3: memref<3328x128xi32, #tpu.memory_space<hbm>>, %arg4: memref<425984x64xf32, #tpu.memory_space<hbm>>, %arg5: memref<13x128xi32, #tpu.memory_space<vmem>>, %arg6: memref<1664x64xf32, #tpu.memory_space<vmem>>, %arg7: memref<!tpu.dma_semaphore, #tpu.memory_space<semaphore_mem>>, %arg8: memref<!tpu.dma_semaphore, #tpu.memory_space<semaphore_mem>>) attributes {dimension_semantics = [#tpu.dimension_semantics<core_parallel>, #tpu.dimension_semantics<subcore_parallel>], iteration_bounds = array<i64: 2, 16>, scalar_prefetch = 0 : i64, scratch_operands = 4 : i64, tpu.core_type = #tpu.core_type<sc_vector_subcore>, window_params = [{transform_indices = #map}, {transform_indices = #map}, {transform_indices = #map}]} {
    %mul3A = arith.constant 2 : i32
    %mul3A_0 = arith.muli %arg1, %mul3A : i32
    %add3A = arith.addi %mul3A_0, %arg0 : i32
    %mul3A_1 = arith.constant 512 : i32
    %mul3A_2 = arith.muli %add3A, %mul3A_1 : i32
    %mul3A_3 = arith.constant 104 : i32
    %mul3A_4 = arith.muli %add3A, %mul3A_3 : i32
    %scan3A = arith.constant 0 : i32
    %scan3A_5 = arith.constant 0 : i32
    %scan3A_6 = arith.constant 8 : i32
    %scan3A_7 = arith.addi %scan3A_5, %scan3A_6 : i32
    %scan3A_8 = arith.constant 1 : i32
    scf.for %scan3A_10 = %scan3A_5 to %scan3A_7 step %scan3A_8  : i32 {
      %mul3A_11 = arith.constant 64 : i32
      %mul3A_12 = arith.muli %scan3A_10, %mul3A_11 : i32
      %add3A_13 = arith.addi %mul3A_2, %mul3A_12 : i32
      %mul3A_14 = arith.constant 13 : i32
      %mul3A_15 = arith.muli %scan3A_10, %mul3A_14 : i32
      %add3A_16 = arith.addi %mul3A_4, %mul3A_15 : i32
      "tpu.region"() ({
        %run_scoped3A = tpu.sem_alloc : memref<!tpu.dma_semaphore, #tpu.memory_space<semaphore_mem>>
        %dma_start3A_321 = arith.constant 0 : i32
        %dma_start3A_322 = tpu.memref_slice %arg3[%add3A_16, %dma_start3A_321] : memref<3328x128xi32, #tpu.memory_space<hbm>> -> memref<13x128xi32, #tpu.memory_space<hbm>>
        %dma_start3A_323 = arith.constant 0 : i32
        %dma_start3A_324 = tpu.memref_slice %arg3[%add3A_16, %dma_start3A_323] : memref<3328x128xi32, #tpu.memory_space<hbm>> -> memref<13x128xi32, #tpu.memory_space<hbm>>
        tpu.enqueue_dma source(%dma_start3A_324 : memref<13x128xi32, #tpu.memory_space<hbm>>) target(%arg5 : memref<13x128xi32, #tpu.memory_space<vmem>>) target_semaphore(%run_scoped3A : memref<!tpu.dma_semaphore, #tpu.memory_space<semaphore_mem>>)
        %dma_wait3A_325 = arith.constant 0 : i32
        %dma_wait3A_326 = tpu.memref_slice %arg3[%add3A_16, %dma_wait3A_325] : memref<3328x128xi32, #tpu.memory_space<hbm>> -> memref<13x128xi32, #tpu.memory_space<hbm>>
        %dma_wait3A_327 = arith.constant 0 : i32
        %dma_wait3A_328 = tpu.memref_slice %arg3[%add3A_16, %dma_wait3A_327] : memref<3328x128xi32, #tpu.memory_space<hbm>> -> memref<13x128xi32, #tpu.memory_space<hbm>>
        tpu.wait_dma2 semaphore(%run_scoped3A : memref<!tpu.dma_semaphore, #tpu.memory_space<semaphore_mem>>) src(%dma_wait3A_328 : memref<13x128xi32, #tpu.memory_space<hbm>>) dst(%arg5 : memref<13x128xi32, #tpu.memory_space<vmem>>)
        tpu.yield
      }) : () -> ()
      %dma_start3A = arith.constant 0 : i32
      %dma_start3A_17 = arith.constant 0 : i32
      %dma_start3A_18 = arith.constant 0 : i32
      %dma_start3A_19 = tpu.memref_slice %arg6[%dma_start3A_17, %dma_start3A_18] : memref<1664x64xf32, #tpu.memory_space<vmem>> -> memref<128x64xf32, #tpu.memory_space<vmem>>
      %dma_start3A_20 = arith.constant 0 : i32
      %dma_start3A_21 = tpu.memref_slice %arg5[%dma_start3A, %dma_start3A_20] : memref<13x128xi32, #tpu.memory_space<vmem>> -> memref<1x128xi32, #tpu.memory_space<vmem>>
      %dma_start3A_22 = tpu.memref_squeeze %dma_start3A_21 : memref<1x128xi32, #tpu.memory_space<vmem>> -> memref<128xi32, #tpu.memory_space<vmem>>
      %dma_start3A_23 = arith.constant 0 : i32
      %dma_start3A_24 = arith.constant 0 : i32
      %dma_start3A_25 = tpu.memref_slice %arg2[%dma_start3A_23, %dma_start3A_24] : memref<200192x64xf32, #tpu.memory_space<hbm>> -> memref<200192x64xf32, #tpu.memory_space<hbm>>
      tpu.enqueue_indirect_dma source(%dma_start3A_25 : memref<200192x64xf32, #tpu.memory_space<hbm>>) target(%dma_start3A_19 : memref<128x64xf32, #tpu.memory_space<vmem>>) offsets(%dma_start3A_22 : memref<128xi32, #tpu.memory_space<vmem>>) semaphore(%arg7 : memref<!tpu.dma_semaphore, #tpu.memory_space<semaphore_mem>>)
      %dma_start3A_26 = arith.constant 1 : i32
      %dma_start3A_27 = arith.constant 128 : i32
      %dma_start3A_28 = arith.constant 0 : i32
      %dma_start3A_29 = tpu.memref_slice %arg6[%dma_start3A_27, %dma_start3A_28] : memref<1664x64xf32, #tpu.memory_space<vmem>> -> memref<128x64xf32, #tpu.memory_space<vmem>>
      %dma_start3A_30 = arith.constant 0 : i32
      %dma_start3A_31 = tpu.memref_slice %arg5[%dma_start3A_26, %dma_start3A_30] : memref<13x128xi32, #tpu.memory_space<vmem>> -> memref<1x128xi32, #tpu.memory_space<vmem>>
      %dma_start3A_32 = tpu.memref_squeeze %dma_start3A_31 : memref<1x128xi32, #tpu.memory_space<vmem>> -> memref<128xi32, #tpu.memory_space<vmem>>
      %dma_start3A_33 = arith.constant 0 : i32
      %dma_start3A_34 = arith.constant 0 : i32
      %dma_start3A_35 = tpu.memref_slice %arg2[%dma_start3A_33, %dma_start3A_34] : memref<200192x64xf32, #tpu.memory_space<hbm>> -> memref<200192x64xf32, #tpu.memory_space<hbm>>
      tpu.enqueue_indirect_dma source(%dma_start3A_35 : memref<200192x64xf32, #tpu.memory_space<hbm>>) target(%dma_start3A_29 : memref<128x64xf32, #tpu.memory_space<vmem>>) offsets(%dma_start3A_32 : memref<128xi32, #tpu.memory_space<vmem>>) semaphore(%arg7 : memref<!tpu.dma_semaphore, #tpu.memory_space<semaphore_mem>>)
      %dma_start3A_36 = arith.constant 2 : i32
      %dma_start3A_37 = arith.constant 256 : i32
      %dma_start3A_38 = arith.constant 0 : i32
      %dma_start3A_39 = tpu.memref_slice %arg6[%dma_start3A_37, %dma_start3A_38] : memref<1664x64xf32, #tpu.memory_space<vmem>> -> memref<128x64xf32, #tpu.memory_space<vmem>>
      %dma_start3A_40 = arith.constant 0 : i32
      %dma_start3A_41 = tpu.memref_slice %arg5[%dma_start3A_36, %dma_start3A_40] : memref<13x128xi32, #tpu.memory_space<vmem>> -> memref<1x128xi32, #tpu.memory_space<vmem>>
      %dma_start3A_42 = tpu.memref_squeeze %dma_start3A_41 : memref<1x128xi32, #tpu.memory_space<vmem>> -> memref<128xi32, #tpu.memory_space<vmem>>
      %dma_start3A_43 = arith.constant 0 : i32
      %dma_start3A_44 = arith.constant 0 : i32
      %dma_start3A_45 = tpu.memref_slice %arg2[%dma_start3A_43, %dma_start3A_44] : memref<200192x64xf32, #tpu.memory_space<hbm>> -> memref<200192x64xf32, #tpu.memory_space<hbm>>
      tpu.enqueue_indirect_dma source(%dma_start3A_45 : memref<200192x64xf32, #tpu.memory_space<hbm>>) target(%dma_start3A_39 : memref<128x64xf32, #tpu.memory_space<vmem>>) offsets(%dma_start3A_42 : memref<128xi32, #tpu.memory_space<vmem>>) semaphore(%arg7 : memref<!tpu.dma_semaphore, #tpu.memory_space<semaphore_mem>>)
      %dma_start3A_46 = arith.constant 3 : i32
      %dma_start3A_47 = arith.constant 384 : i32
      %dma_start3A_48 = arith.constant 0 : i32
      %dma_start3A_49 = tpu.memref_slice %arg6[%dma_start3A_47, %dma_start3A_48] : memref<1664x64xf32, #tpu.memory_space<vmem>> -> memref<128x64xf32, #tpu.memory_space<vmem>>
      %dma_start3A_50 = arith.constant 0 : i32
      %dma_start3A_51 = tpu.memref_slice %arg5[%dma_start3A_46, %dma_start3A_50] : memref<13x128xi32, #tpu.memory_space<vmem>> -> memref<1x128xi32, #tpu.memory_space<vmem>>
      %dma_start3A_52 = tpu.memref_squeeze %dma_start3A_51 : memref<1x128xi32, #tpu.memory_space<vmem>> -> memref<128xi32, #tpu.memory_space<vmem>>
      %dma_start3A_53 = arith.constant 0 : i32
      %dma_start3A_54 = arith.constant 0 : i32
      %dma_start3A_55 = tpu.memref_slice %arg2[%dma_start3A_53, %dma_start3A_54] : memref<200192x64xf32, #tpu.memory_space<hbm>> -> memref<200192x64xf32, #tpu.memory_space<hbm>>
      tpu.enqueue_indirect_dma source(%dma_start3A_55 : memref<200192x64xf32, #tpu.memory_space<hbm>>) target(%dma_start3A_49 : memref<128x64xf32, #tpu.memory_space<vmem>>) offsets(%dma_start3A_52 : memref<128xi32, #tpu.memory_space<vmem>>) semaphore(%arg7 : memref<!tpu.dma_semaphore, #tpu.memory_space<semaphore_mem>>)
      %dma_start3A_56 = arith.constant 4 : i32
      %dma_start3A_57 = arith.constant 512 : i32
      %dma_start3A_58 = arith.constant 0 : i32
      %dma_start3A_59 = tpu.memref_slice %arg6[%dma_start3A_57, %dma_start3A_58] : memref<1664x64xf32, #tpu.memory_space<vmem>> -> memref<128x64xf32, #tpu.memory_space<vmem>>
      %dma_start3A_60 = arith.constant 0 : i32
      %dma_start3A_61 = tpu.memref_slice %arg5[%dma_start3A_56, %dma_start3A_60] : memref<13x128xi32, #tpu.memory_space<vmem>> -> memref<1x128xi32, #tpu.memory_space<vmem>>
      %dma_start3A_62 = tpu.memref_squeeze %dma_start3A_61 : memref<1x128xi32, #tpu.memory_space<vmem>> -> memref<128xi32, #tpu.memory_space<vmem>>
      %dma_start3A_63 = arith.constant 0 : i32
      %dma_start3A_64 = arith.constant 0 : i32
      %dma_start3A_65 = tpu.memref_slice %arg2[%dma_start3A_63, %dma_start3A_64] : memref<200192x64xf32, #tpu.memory_space<hbm>> -> memref<200192x64xf32, #tpu.memory_space<hbm>>
      tpu.enqueue_indirect_dma source(%dma_start3A_65 : memref<200192x64xf32, #tpu.memory_space<hbm>>) target(%dma_start3A_59 : memref<128x64xf32, #tpu.memory_space<vmem>>) offsets(%dma_start3A_62 : memref<128xi32, #tpu.memory_space<vmem>>) semaphore(%arg7 : memref<!tpu.dma_semaphore, #tpu.memory_space<semaphore_mem>>)
      %dma_start3A_66 = arith.constant 5 : i32
      %dma_start3A_67 = arith.constant 640 : i32
      %dma_start3A_68 = arith.constant 0 : i32
      %dma_start3A_69 = tpu.memref_slice %arg6[%dma_start3A_67, %dma_start3A_68] : memref<1664x64xf32, #tpu.memory_space<vmem>> -> memref<128x64xf32, #tpu.memory_space<vmem>>
      %dma_start3A_70 = arith.constant 0 : i32
      %dma_start3A_71 = tpu.memref_slice %arg5[%dma_start3A_66, %dma_start3A_70] : memref<13x128xi32, #tpu.memory_space<vmem>> -> memref<1x128xi32, #tpu.memory_space<vmem>>
      %dma_start3A_72 = tpu.memref_squeeze %dma_start3A_71 : memref<1x128xi32, #tpu.memory_space<vmem>> -> memref<128xi32, #tpu.memory_space<vmem>>
      %dma_start3A_73 = arith.constant 0 : i32
      %dma_start3A_74 = arith.constant 0 : i32
      %dma_start3A_75 = tpu.memref_slice %arg2[%dma_start3A_73, %dma_start3A_74] : memref<200192x64xf32, #tpu.memory_space<hbm>> -> memref<200192x64xf32, #tpu.memory_space<hbm>>
      tpu.enqueue_indirect_dma source(%dma_start3A_75 : memref<200192x64xf32, #tpu.memory_space<hbm>>) target(%dma_start3A_69 : memref<128x64xf32, #tpu.memory_space<vmem>>) offsets(%dma_start3A_72 : memref<128xi32, #tpu.memory_space<vmem>>) semaphore(%arg7 : memref<!tpu.dma_semaphore, #tpu.memory_space<semaphore_mem>>)
      %dma_start3A_76 = arith.constant 6 : i32
      %dma_start3A_77 = arith.constant 768 : i32
      %dma_start3A_78 = arith.constant 0 : i32
      %dma_start3A_79 = tpu.memref_slice %arg6[%dma_start3A_77, %dma_start3A_78] : memref<1664x64xf32, #tpu.memory_space<vmem>> -> memref<128x64xf32, #tpu.memory_space<vmem>>
      %dma_start3A_80 = arith.constant 0 : i32
      %dma_start3A_81 = tpu.memref_slice %arg5[%dma_start3A_76, %dma_start3A_80] : memref<13x128xi32, #tpu.memory_space<vmem>> -> memref<1x128xi32, #tpu.memory_space<vmem>>
      %dma_start3A_82 = tpu.memref_squeeze %dma_start3A_81 : memref<1x128xi32, #tpu.memory_space<vmem>> -> memref<128xi32, #tpu.memory_space<vmem>>
      %dma_start3A_83 = arith.constant 0 : i32
      %dma_start3A_84 = arith.constant 0 : i32
      %dma_start3A_85 = tpu.memref_slice %arg2[%dma_start3A_83, %dma_start3A_84] : memref<200192x64xf32, #tpu.memory_space<hbm>> -> memref<200192x64xf32, #tpu.memory_space<hbm>>
      tpu.enqueue_indirect_dma source(%dma_start3A_85 : memref<200192x64xf32, #tpu.memory_space<hbm>>) target(%dma_start3A_79 : memref<128x64xf32, #tpu.memory_space<vmem>>) offsets(%dma_start3A_82 : memref<128xi32, #tpu.memory_space<vmem>>) semaphore(%arg7 : memref<!tpu.dma_semaphore, #tpu.memory_space<semaphore_mem>>)
      %dma_wait3A = arith.constant 0 : i32
      %dma_wait3A_86 = arith.constant 0 : i32
      %dma_wait3A_87 = arith.constant 0 : i32
      %dma_wait3A_88 = tpu.memref_slice %arg6[%dma_wait3A_86, %dma_wait3A_87] : memref<1664x64xf32, #tpu.memory_space<vmem>> -> memref<128x64xf32, #tpu.memory_space<vmem>>
      %dma_wait3A_89 = arith.constant 0 : i32
      %dma_wait3A_90 = tpu.memref_slice %arg5[%dma_wait3A, %dma_wait3A_89] : memref<13x128xi32, #tpu.memory_space<vmem>> -> memref<1x128xi32, #tpu.memory_space<vmem>>
      %dma_wait3A_91 = tpu.memref_squeeze %dma_wait3A_90 : memref<1x128xi32, #tpu.memory_space<vmem>> -> memref<128xi32, #tpu.memory_space<vmem>>
      %dma_wait3A_92 = arith.constant 0 : i32
      %dma_wait3A_93 = arith.constant 0 : i32
      %dma_wait3A_94 = tpu.memref_slice %arg2[%dma_wait3A_92, %dma_wait3A_93] : memref<200192x64xf32, #tpu.memory_space<hbm>> -> memref<200192x64xf32, #tpu.memory_space<hbm>>
      tpu.wait_indirect_dma semaphore(%arg7 : memref<!tpu.dma_semaphore, #tpu.memory_space<semaphore_mem>>) src(%dma_wait3A_94 : memref<200192x64xf32, #tpu.memory_space<hbm>>) dst(%dma_wait3A_88 : memref<128x64xf32, #tpu.memory_space<vmem>>)
      %dma_wait3A_95 = arith.constant 1 : i32
      %dma_wait3A_96 = arith.constant 128 : i32
      %dma_wait3A_97 = arith.constant 0 : i32
      %dma_wait3A_98 = tpu.memref_slice %arg6[%dma_wait3A_96, %dma_wait3A_97] : memref<1664x64xf32, #tpu.memory_space<vmem>> -> memref<128x64xf32, #tpu.memory_space<vmem>>
      %dma_wait3A_99 = arith.constant 0 : i32
      %dma_wait3A_100 = tpu.memref_slice %arg5[%dma_wait3A_95, %dma_wait3A_99] : memref<13x128xi32, #tpu.memory_space<vmem>> -> memref<1x128xi32, #tpu.memory_space<vmem>>
      %dma_wait3A_101 = tpu.memref_squeeze %dma_wait3A_100 : memref<1x128xi32, #tpu.memory_space<vmem>> -> memref<128xi32, #tpu.memory_space<vmem>>
      %dma_wait3A_102 = arith.constant 0 : i32
      %dma_wait3A_103 = arith.constant 0 : i32
      %dma_wait3A_104 = tpu.memref_slice %arg2[%dma_wait3A_102, %dma_wait3A_103] : memref<200192x64xf32, #tpu.memory_space<hbm>> -> memref<200192x64xf32, #tpu.memory_space<hbm>>
      tpu.wait_indirect_dma semaphore(%arg7 : memref<!tpu.dma_semaphore, #tpu.memory_space<semaphore_mem>>) src(%dma_wait3A_104 : memref<200192x64xf32, #tpu.memory_space<hbm>>) dst(%dma_wait3A_98 : memref<128x64xf32, #tpu.memory_space<vmem>>)
      %dma_wait3A_105 = arith.constant 2 : i32
      %dma_wait3A_106 = arith.constant 256 : i32
      %dma_wait3A_107 = arith.constant 0 : i32
      %dma_wait3A_108 = tpu.memref_slice %arg6[%dma_wait3A_106, %dma_wait3A_107] : memref<1664x64xf32, #tpu.memory_space<vmem>> -> memref<128x64xf32, #tpu.memory_space<vmem>>
      %dma_wait3A_109 = arith.constant 0 : i32
      %dma_wait3A_110 = tpu.memref_slice %arg5[%dma_wait3A_105, %dma_wait3A_109] : memref<13x128xi32, #tpu.memory_space<vmem>> -> memref<1x128xi32, #tpu.memory_space<vmem>>
      %dma_wait3A_111 = tpu.memref_squeeze %dma_wait3A_110 : memref<1x128xi32, #tpu.memory_space<vmem>> -> memref<128xi32, #tpu.memory_space<vmem>>
      %dma_wait3A_112 = arith.constant 0 : i32
      %dma_wait3A_113 = arith.constant 0 : i32
      %dma_wait3A_114 = tpu.memref_slice %arg2[%dma_wait3A_112, %dma_wait3A_113] : memref<200192x64xf32, #tpu.memory_space<hbm>> -> memref<200192x64xf32, #tpu.memory_space<hbm>>
      tpu.wait_indirect_dma semaphore(%arg7 : memref<!tpu.dma_semaphore, #tpu.memory_space<semaphore_mem>>) src(%dma_wait3A_114 : memref<200192x64xf32, #tpu.memory_space<hbm>>) dst(%dma_wait3A_108 : memref<128x64xf32, #tpu.memory_space<vmem>>)
      %dma_wait3A_115 = arith.constant 3 : i32
      %dma_wait3A_116 = arith.constant 384 : i32
      %dma_wait3A_117 = arith.constant 0 : i32
      %dma_wait3A_118 = tpu.memref_slice %arg6[%dma_wait3A_116, %dma_wait3A_117] : memref<1664x64xf32, #tpu.memory_space<vmem>> -> memref<128x64xf32, #tpu.memory_space<vmem>>
      %dma_wait3A_119 = arith.constant 0 : i32
      %dma_wait3A_120 = tpu.memref_slice %arg5[%dma_wait3A_115, %dma_wait3A_119] : memref<13x128xi32, #tpu.memory_space<vmem>> -> memref<1x128xi32, #tpu.memory_space<vmem>>
      %dma_wait3A_121 = tpu.memref_squeeze %dma_wait3A_120 : memref<1x128xi32, #tpu.memory_space<vmem>> -> memref<128xi32, #tpu.memory_space<vmem>>
      %dma_wait3A_122 = arith.constant 0 : i32
      %dma_wait3A_123 = arith.constant 0 : i32
      %dma_wait3A_124 = tpu.memref_slice %arg2[%dma_wait3A_122, %dma_wait3A_123] : memref<200192x64xf32, #tpu.memory_space<hbm>> -> memref<200192x64xf32, #tpu.memory_space<hbm>>
      tpu.wait_indirect_dma semaphore(%arg7 : memref<!tpu.dma_semaphore, #tpu.memory_space<semaphore_mem>>) src(%dma_wait3A_124 : memref<200192x64xf32, #tpu.memory_space<hbm>>) dst(%dma_wait3A_118 : memref<128x64xf32, #tpu.memory_space<vmem>>)
      %dma_wait3A_125 = arith.constant 4 : i32
      %dma_wait3A_126 = arith.constant 512 : i32
      %dma_wait3A_127 = arith.constant 0 : i32
      %dma_wait3A_128 = tpu.memref_slice %arg6[%dma_wait3A_126, %dma_wait3A_127] : memref<1664x64xf32, #tpu.memory_space<vmem>> -> memref<128x64xf32, #tpu.memory_space<vmem>>
      %dma_wait3A_129 = arith.constant 0 : i32
      %dma_wait3A_130 = tpu.memref_slice %arg5[%dma_wait3A_125, %dma_wait3A_129] : memref<13x128xi32, #tpu.memory_space<vmem>> -> memref<1x128xi32, #tpu.memory_space<vmem>>
      %dma_wait3A_131 = tpu.memref_squeeze %dma_wait3A_130 : memref<1x128xi32, #tpu.memory_space<vmem>> -> memref<128xi32, #tpu.memory_space<vmem>>
      %dma_wait3A_132 = arith.constant 0 : i32
      %dma_wait3A_133 = arith.constant 0 : i32
      %dma_wait3A_134 = tpu.memref_slice %arg2[%dma_wait3A_132, %dma_wait3A_133] : memref<200192x64xf32, #tpu.memory_space<hbm>> -> memref<200192x64xf32, #tpu.memory_space<hbm>>
      tpu.wait_indirect_dma semaphore(%arg7 : memref<!tpu.dma_semaphore, #tpu.memory_space<semaphore_mem>>) src(%dma_wait3A_134 : memref<200192x64xf32, #tpu.memory_space<hbm>>) dst(%dma_wait3A_128 : memref<128x64xf32, #tpu.memory_space<vmem>>)
      %dma_wait3A_135 = arith.constant 5 : i32
      %dma_wait3A_136 = arith.constant 640 : i32
      %dma_wait3A_137 = arith.constant 0 : i32
      %dma_wait3A_138 = tpu.memref_slice %arg6[%dma_wait3A_136, %dma_wait3A_137] : memref<1664x64xf32, #tpu.memory_space<vmem>> -> memref<128x64xf32, #tpu.memory_space<vmem>>
      %dma_wait3A_139 = arith.constant 0 : i32
      %dma_wait3A_140 = tpu.memref_slice %arg5[%dma_wait3A_135, %dma_wait3A_139] : memref<13x128xi32, #tpu.memory_space<vmem>> -> memref<1x128xi32, #tpu.memory_space<vmem>>
      %dma_wait3A_141 = tpu.memref_squeeze %dma_wait3A_140 : memref<1x128xi32, #tpu.memory_space<vmem>> -> memref<128xi32, #tpu.memory_space<vmem>>
      %dma_wait3A_142 = arith.constant 0 : i32
      %dma_wait3A_143 = arith.constant 0 : i32
      %dma_wait3A_144 = tpu.memref_slice %arg2[%dma_wait3A_142, %dma_wait3A_143] : memref<200192x64xf32, #tpu.memory_space<hbm>> -> memref<200192x64xf32, #tpu.memory_space<hbm>>
      tpu.wait_indirect_dma semaphore(%arg7 : memref<!tpu.dma_semaphore, #tpu.memory_space<semaphore_mem>>) src(%dma_wait3A_144 : memref<200192x64xf32, #tpu.memory_space<hbm>>) dst(%dma_wait3A_138 : memref<128x64xf32, #tpu.memory_space<vmem>>)
      %dma_wait3A_145 = arith.constant 6 : i32
      %dma_wait3A_146 = arith.constant 768 : i32
      %dma_wait3A_147 = arith.constant 0 : i32
      %dma_wait3A_148 = tpu.memref_slice %arg6[%dma_wait3A_146, %dma_wait3A_147] : memref<1664x64xf32, #tpu.memory_space<vmem>> -> memref<128x64xf32, #tpu.memory_space<vmem>>
      %dma_wait3A_149 = arith.constant 0 : i32
      %dma_wait3A_150 = tpu.memref_slice %arg5[%dma_wait3A_145, %dma_wait3A_149] : memref<13x128xi32, #tpu.memory_space<vmem>> -> memref<1x128xi32, #tpu.memory_space<vmem>>
      %dma_wait3A_151 = tpu.memref_squeeze %dma_wait3A_150 : memref<1x128xi32, #tpu.memory_space<vmem>> -> memref<128xi32, #tpu.memory_space<vmem>>
      %dma_wait3A_152 = arith.constant 0 : i32
      %dma_wait3A_153 = arith.constant 0 : i32
      %dma_wait3A_154 = tpu.memref_slice %arg2[%dma_wait3A_152, %dma_wait3A_153] : memref<200192x64xf32, #tpu.memory_space<hbm>> -> memref<200192x64xf32, #tpu.memory_space<hbm>>
      tpu.wait_indirect_dma semaphore(%arg7 : memref<!tpu.dma_semaphore, #tpu.memory_space<semaphore_mem>>) src(%dma_wait3A_154 : memref<200192x64xf32, #tpu.memory_space<hbm>>) dst(%dma_wait3A_148 : memref<128x64xf32, #tpu.memory_space<vmem>>)
      %mul3A_155 = arith.constant 26 : i32
      %mul3A_156 = arith.muli %add3A_13, %mul3A_155 : i32
      %dma_start3A_157 = arith.constant 0 : i32
      %dma_start3A_158 = arith.constant 0 : i32
      %dma_start3A_159 = tpu.memref_slice %arg6[%dma_start3A_157, %dma_start3A_158] : memref<1664x64xf32, #tpu.memory_space<vmem>> -> memref<896x64xf32, #tpu.memory_space<vmem>>
      %dma_start3A_160 = arith.constant 0 : i32
      %dma_start3A_161 = tpu.memref_slice %arg4[%mul3A_156, %dma_start3A_160] : memref<425984x64xf32, #tpu.memory_space<hbm>> -> memref<896x64xf32, #tpu.memory_space<hbm>>
      %dma_start3A_162 = arith.constant 0 : i32
      %dma_start3A_163 = tpu.memref_slice %arg4[%mul3A_156, %dma_start3A_162] : memref<425984x64xf32, #tpu.memory_space<hbm>> -> memref<896x64xf32, #tpu.memory_space<hbm>>
      %dma_start3A_164 = arith.constant 0 : i32
      %dma_start3A_165 = arith.constant 0 : i32
      %dma_start3A_166 = tpu.memref_slice %arg6[%dma_start3A_164, %dma_start3A_165] : memref<1664x64xf32, #tpu.memory_space<vmem>> -> memref<896x64xf32, #tpu.memory_space<vmem>>
      tpu.enqueue_dma source(%dma_start3A_166 : memref<896x64xf32, #tpu.memory_space<vmem>>) target(%dma_start3A_163 : memref<896x64xf32, #tpu.memory_space<hbm>>) target_semaphore(%arg8 : memref<!tpu.dma_semaphore, #tpu.memory_space<semaphore_mem>>)
      %dma_start3A_167 = arith.constant 7 : i32
      %dma_start3A_168 = arith.constant 896 : i32
      %dma_start3A_169 = arith.constant 0 : i32
      %dma_start3A_170 = tpu.memref_slice %arg6[%dma_start3A_168, %dma_start3A_169] : memref<1664x64xf32, #tpu.memory_space<vmem>> -> memref<128x64xf32, #tpu.memory_space<vmem>>
      %dma_start3A_171 = arith.constant 0 : i32
      %dma_start3A_172 = tpu.memref_slice %arg5[%dma_start3A_167, %dma_start3A_171] : memref<13x128xi32, #tpu.memory_space<vmem>> -> memref<1x128xi32, #tpu.memory_space<vmem>>
      %dma_start3A_173 = tpu.memref_squeeze %dma_start3A_172 : memref<1x128xi32, #tpu.memory_space<vmem>> -> memref<128xi32, #tpu.memory_space<vmem>>
      %dma_start3A_174 = arith.constant 0 : i32
      %dma_start3A_175 = arith.constant 0 : i32
      %dma_start3A_176 = tpu.memref_slice %arg2[%dma_start3A_174, %dma_start3A_175] : memref<200192x64xf32, #tpu.memory_space<hbm>> -> memref<200192x64xf32, #tpu.memory_space<hbm>>
      tpu.enqueue_indirect_dma source(%dma_start3A_176 : memref<200192x64xf32, #tpu.memory_space<hbm>>) target(%dma_start3A_170 : memref<128x64xf32, #tpu.memory_space<vmem>>) offsets(%dma_start3A_173 : memref<128xi32, #tpu.memory_space<vmem>>) semaphore(%arg7 : memref<!tpu.dma_semaphore, #tpu.memory_space<semaphore_mem>>)
      %dma_start3A_177 = arith.constant 8 : i32
      %dma_start3A_178 = arith.constant 1024 : i32
      %dma_start3A_179 = arith.constant 0 : i32
      %dma_start3A_180 = tpu.memref_slice %arg6[%dma_start3A_178, %dma_start3A_179] : memref<1664x64xf32, #tpu.memory_space<vmem>> -> memref<128x64xf32, #tpu.memory_space<vmem>>
      %dma_start3A_181 = arith.constant 0 : i32
      %dma_start3A_182 = tpu.memref_slice %arg5[%dma_start3A_177, %dma_start3A_181] : memref<13x128xi32, #tpu.memory_space<vmem>> -> memref<1x128xi32, #tpu.memory_space<vmem>>
      %dma_start3A_183 = tpu.memref_squeeze %dma_start3A_182 : memref<1x128xi32, #tpu.memory_space<vmem>> -> memref<128xi32, #tpu.memory_space<vmem>>
      %dma_start3A_184 = arith.constant 0 : i32
      %dma_start3A_185 = arith.constant 0 : i32
      %dma_start3A_186 = tpu.memref_slice %arg2[%dma_start3A_184, %dma_start3A_185] : memref<200192x64xf32, #tpu.memory_space<hbm>> -> memref<200192x64xf32, #tpu.memory_space<hbm>>
      tpu.enqueue_indirect_dma source(%dma_start3A_186 : memref<200192x64xf32, #tpu.memory_space<hbm>>) target(%dma_start3A_180 : memref<128x64xf32, #tpu.memory_space<vmem>>) offsets(%dma_start3A_183 : memref<128xi32, #tpu.memory_space<vmem>>) semaphore(%arg7 : memref<!tpu.dma_semaphore, #tpu.memory_space<semaphore_mem>>)
      %dma_start3A_187 = arith.constant 9 : i32
      %dma_start3A_188 = arith.constant 1152 : i32
      %dma_start3A_189 = arith.constant 0 : i32
      %dma_start3A_190 = tpu.memref_slice %arg6[%dma_start3A_188, %dma_start3A_189] : memref<1664x64xf32, #tpu.memory_space<vmem>> -> memref<128x64xf32, #tpu.memory_space<vmem>>
      %dma_start3A_191 = arith.constant 0 : i32
      %dma_start3A_192 = tpu.memref_slice %arg5[%dma_start3A_187, %dma_start3A_191] : memref<13x128xi32, #tpu.memory_space<vmem>> -> memref<1x128xi32, #tpu.memory_space<vmem>>
      %dma_start3A_193 = tpu.memref_squeeze %dma_start3A_192 : memref<1x128xi32, #tpu.memory_space<vmem>> -> memref<128xi32, #tpu.memory_space<vmem>>
      %dma_start3A_194 = arith.constant 0 : i32
      %dma_start3A_195 = arith.constant 0 : i32
      %dma_start3A_196 = tpu.memref_slice %arg2[%dma_start3A_194, %dma_start3A_195] : memref<200192x64xf32, #tpu.memory_space<hbm>> -> memref<200192x64xf32, #tpu.memory_space<hbm>>
      tpu.enqueue_indirect_dma source(%dma_start3A_196 : memref<200192x64xf32, #tpu.memory_space<hbm>>) target(%dma_start3A_190 : memref<128x64xf32, #tpu.memory_space<vmem>>) offsets(%dma_start3A_193 : memref<128xi32, #tpu.memory_space<vmem>>) semaphore(%arg7 : memref<!tpu.dma_semaphore, #tpu.memory_space<semaphore_mem>>)
      %dma_start3A_197 = arith.constant 10 : i32
      %dma_start3A_198 = arith.constant 1280 : i32
      %dma_start3A_199 = arith.constant 0 : i32
      %dma_start3A_200 = tpu.memref_slice %arg6[%dma_start3A_198, %dma_start3A_199] : memref<1664x64xf32, #tpu.memory_space<vmem>> -> memref<128x64xf32, #tpu.memory_space<vmem>>
      %dma_start3A_201 = arith.constant 0 : i32
      %dma_start3A_202 = tpu.memref_slice %arg5[%dma_start3A_197, %dma_start3A_201] : memref<13x128xi32, #tpu.memory_space<vmem>> -> memref<1x128xi32, #tpu.memory_space<vmem>>
      %dma_start3A_203 = tpu.memref_squeeze %dma_start3A_202 : memref<1x128xi32, #tpu.memory_space<vmem>> -> memref<128xi32, #tpu.memory_space<vmem>>
      %dma_start3A_204 = arith.constant 0 : i32
      %dma_start3A_205 = arith.constant 0 : i32
      %dma_start3A_206 = tpu.memref_slice %arg2[%dma_start3A_204, %dma_start3A_205] : memref<200192x64xf32, #tpu.memory_space<hbm>> -> memref<200192x64xf32, #tpu.memory_space<hbm>>
      tpu.enqueue_indirect_dma source(%dma_start3A_206 : memref<200192x64xf32, #tpu.memory_space<hbm>>) target(%dma_start3A_200 : memref<128x64xf32, #tpu.memory_space<vmem>>) offsets(%dma_start3A_203 : memref<128xi32, #tpu.memory_space<vmem>>) semaphore(%arg7 : memref<!tpu.dma_semaphore, #tpu.memory_space<semaphore_mem>>)
      %dma_start3A_207 = arith.constant 11 : i32
      %dma_start3A_208 = arith.constant 1408 : i32
      %dma_start3A_209 = arith.constant 0 : i32
      %dma_start3A_210 = tpu.memref_slice %arg6[%dma_start3A_208, %dma_start3A_209] : memref<1664x64xf32, #tpu.memory_space<vmem>> -> memref<128x64xf32, #tpu.memory_space<vmem>>
      %dma_start3A_211 = arith.constant 0 : i32
      %dma_start3A_212 = tpu.memref_slice %arg5[%dma_start3A_207, %dma_start3A_211] : memref<13x128xi32, #tpu.memory_space<vmem>> -> memref<1x128xi32, #tpu.memory_space<vmem>>
      %dma_start3A_213 = tpu.memref_squeeze %dma_start3A_212 : memref<1x128xi32, #tpu.memory_space<vmem>> -> memref<128xi32, #tpu.memory_space<vmem>>
      %dma_start3A_214 = arith.constant 0 : i32
      %dma_start3A_215 = arith.constant 0 : i32
      %dma_start3A_216 = tpu.memref_slice %arg2[%dma_start3A_214, %dma_start3A_215] : memref<200192x64xf32, #tpu.memory_space<hbm>> -> memref<200192x64xf32, #tpu.memory_space<hbm>>
      tpu.enqueue_indirect_dma source(%dma_start3A_216 : memref<200192x64xf32, #tpu.memory_space<hbm>>) target(%dma_start3A_210 : memref<128x64xf32, #tpu.memory_space<vmem>>) offsets(%dma_start3A_213 : memref<128xi32, #tpu.memory_space<vmem>>) semaphore(%arg7 : memref<!tpu.dma_semaphore, #tpu.memory_space<semaphore_mem>>)
      %dma_start3A_217 = arith.constant 12 : i32
      %dma_start3A_218 = arith.constant 1536 : i32
      %dma_start3A_219 = arith.constant 0 : i32
      %dma_start3A_220 = tpu.memref_slice %arg6[%dma_start3A_218, %dma_start3A_219] : memref<1664x64xf32, #tpu.memory_space<vmem>> -> memref<128x64xf32, #tpu.memory_space<vmem>>
      %dma_start3A_221 = arith.constant 0 : i32
      %dma_start3A_222 = tpu.memref_slice %arg5[%dma_start3A_217, %dma_start3A_221] : memref<13x128xi32, #tpu.memory_space<vmem>> -> memref<1x128xi32, #tpu.memory_space<vmem>>
      %dma_start3A_223 = tpu.memref_squeeze %dma_start3A_222 : memref<1x128xi32, #tpu.memory_space<vmem>> -> memref<128xi32, #tpu.memory_space<vmem>>
      %dma_start3A_224 = arith.constant 0 : i32
      %dma_start3A_225 = arith.constant 0 : i32
      %dma_start3A_226 = tpu.memref_slice %arg2[%dma_start3A_224, %dma_start3A_225] : memref<200192x64xf32, #tpu.memory_space<hbm>> -> memref<200192x64xf32, #tpu.memory_space<hbm>>
      tpu.enqueue_indirect_dma source(%dma_start3A_226 : memref<200192x64xf32, #tpu.memory_space<hbm>>) target(%dma_start3A_220 : memref<128x64xf32, #tpu.memory_space<vmem>>) offsets(%dma_start3A_223 : memref<128xi32, #tpu.memory_space<vmem>>) semaphore(%arg7 : memref<!tpu.dma_semaphore, #tpu.memory_space<semaphore_mem>>)
      %dma_wait3A_227 = arith.constant 7 : i32
      %dma_wait3A_228 = arith.constant 896 : i32
      %dma_wait3A_229 = arith.constant 0 : i32
      %dma_wait3A_230 = tpu.memref_slice %arg6[%dma_wait3A_228, %dma_wait3A_229] : memref<1664x64xf32, #tpu.memory_space<vmem>> -> memref<128x64xf32, #tpu.memory_space<vmem>>
      %dma_wait3A_231 = arith.constant 0 : i32
      %dma_wait3A_232 = tpu.memref_slice %arg5[%dma_wait3A_227, %dma_wait3A_231] : memref<13x128xi32, #tpu.memory_space<vmem>> -> memref<1x128xi32, #tpu.memory_space<vmem>>
      %dma_wait3A_233 = tpu.memref_squeeze %dma_wait3A_232 : memref<1x128xi32, #tpu.memory_space<vmem>> -> memref<128xi32, #tpu.memory_space<vmem>>
      %dma_wait3A_234 = arith.constant 0 : i32
      %dma_wait3A_235 = arith.constant 0 : i32
      %dma_wait3A_236 = tpu.memref_slice %arg2[%dma_wait3A_234, %dma_wait3A_235] : memref<200192x64xf32, #tpu.memory_space<hbm>> -> memref<200192x64xf32, #tpu.memory_space<hbm>>
      tpu.wait_indirect_dma semaphore(%arg7 : memref<!tpu.dma_semaphore, #tpu.memory_space<semaphore_mem>>) src(%dma_wait3A_236 : memref<200192x64xf32, #tpu.memory_space<hbm>>) dst(%dma_wait3A_230 : memref<128x64xf32, #tpu.memory_space<vmem>>)
      %dma_wait3A_237 = arith.constant 8 : i32
      %dma_wait3A_238 = arith.constant 1024 : i32
      %dma_wait3A_239 = arith.constant 0 : i32
      %dma_wait3A_240 = tpu.memref_slice %arg6[%dma_wait3A_238, %dma_wait3A_239] : memref<1664x64xf32, #tpu.memory_space<vmem>> -> memref<128x64xf32, #tpu.memory_space<vmem>>
      %dma_wait3A_241 = arith.constant 0 : i32
      %dma_wait3A_242 = tpu.memref_slice %arg5[%dma_wait3A_237, %dma_wait3A_241] : memref<13x128xi32, #tpu.memory_space<vmem>> -> memref<1x128xi32, #tpu.memory_space<vmem>>
      %dma_wait3A_243 = tpu.memref_squeeze %dma_wait3A_242 : memref<1x128xi32, #tpu.memory_space<vmem>> -> memref<128xi32, #tpu.memory_space<vmem>>
      %dma_wait3A_244 = arith.constant 0 : i32
      %dma_wait3A_245 = arith.constant 0 : i32
      %dma_wait3A_246 = tpu.memref_slice %arg2[%dma_wait3A_244, %dma_wait3A_245] : memref<200192x64xf32, #tpu.memory_space<hbm>> -> memref<200192x64xf32, #tpu.memory_space<hbm>>
      tpu.wait_indirect_dma semaphore(%arg7 : memref<!tpu.dma_semaphore, #tpu.memory_space<semaphore_mem>>) src(%dma_wait3A_246 : memref<200192x64xf32, #tpu.memory_space<hbm>>) dst(%dma_wait3A_240 : memref<128x64xf32, #tpu.memory_space<vmem>>)
      %dma_wait3A_247 = arith.constant 9 : i32
      %dma_wait3A_248 = arith.constant 1152 : i32
      %dma_wait3A_249 = arith.constant 0 : i32
      %dma_wait3A_250 = tpu.memref_slice %arg6[%dma_wait3A_248, %dma_wait3A_249] : memref<1664x64xf32, #tpu.memory_space<vmem>> -> memref<128x64xf32, #tpu.memory_space<vmem>>
      %dma_wait3A_251 = arith.constant 0 : i32
      %dma_wait3A_252 = tpu.memref_slice %arg5[%dma_wait3A_247, %dma_wait3A_251] : memref<13x128xi32, #tpu.memory_space<vmem>> -> memref<1x128xi32, #tpu.memory_space<vmem>>
      %dma_wait3A_253 = tpu.memref_squeeze %dma_wait3A_252 : memref<1x128xi32, #tpu.memory_space<vmem>> -> memref<128xi32, #tpu.memory_space<vmem>>
      %dma_wait3A_254 = arith.constant 0 : i32
      %dma_wait3A_255 = arith.constant 0 : i32
      %dma_wait3A_256 = tpu.memref_slice %arg2[%dma_wait3A_254, %dma_wait3A_255] : memref<200192x64xf32, #tpu.memory_space<hbm>> -> memref<200192x64xf32, #tpu.memory_space<hbm>>
      tpu.wait_indirect_dma semaphore(%arg7 : memref<!tpu.dma_semaphore, #tpu.memory_space<semaphore_mem>>) src(%dma_wait3A_256 : memref<200192x64xf32, #tpu.memory_space<hbm>>) dst(%dma_wait3A_250 : memref<128x64xf32, #tpu.memory_space<vmem>>)
      %dma_wait3A_257 = arith.constant 10 : i32
      %dma_wait3A_258 = arith.constant 1280 : i32
      %dma_wait3A_259 = arith.constant 0 : i32
      %dma_wait3A_260 = tpu.memref_slice %arg6[%dma_wait3A_258, %dma_wait3A_259] : memref<1664x64xf32, #tpu.memory_space<vmem>> -> memref<128x64xf32, #tpu.memory_space<vmem>>
      %dma_wait3A_261 = arith.constant 0 : i32
      %dma_wait3A_262 = tpu.memref_slice %arg5[%dma_wait3A_257, %dma_wait3A_261] : memref<13x128xi32, #tpu.memory_space<vmem>> -> memref<1x128xi32, #tpu.memory_space<vmem>>
      %dma_wait3A_263 = tpu.memref_squeeze %dma_wait3A_262 : memref<1x128xi32, #tpu.memory_space<vmem>> -> memref<128xi32, #tpu.memory_space<vmem>>
      %dma_wait3A_264 = arith.constant 0 : i32
      %dma_wait3A_265 = arith.constant 0 : i32
      %dma_wait3A_266 = tpu.memref_slice %arg2[%dma_wait3A_264, %dma_wait3A_265] : memref<200192x64xf32, #tpu.memory_space<hbm>> -> memref<200192x64xf32, #tpu.memory_space<hbm>>
      tpu.wait_indirect_dma semaphore(%arg7 : memref<!tpu.dma_semaphore, #tpu.memory_space<semaphore_mem>>) src(%dma_wait3A_266 : memref<200192x64xf32, #tpu.memory_space<hbm>>) dst(%dma_wait3A_260 : memref<128x64xf32, #tpu.memory_space<vmem>>)
      %dma_wait3A_267 = arith.constant 11 : i32
      %dma_wait3A_268 = arith.constant 1408 : i32
      %dma_wait3A_269 = arith.constant 0 : i32
      %dma_wait3A_270 = tpu.memref_slice %arg6[%dma_wait3A_268, %dma_wait3A_269] : memref<1664x64xf32, #tpu.memory_space<vmem>> -> memref<128x64xf32, #tpu.memory_space<vmem>>
      %dma_wait3A_271 = arith.constant 0 : i32
      %dma_wait3A_272 = tpu.memref_slice %arg5[%dma_wait3A_267, %dma_wait3A_271] : memref<13x128xi32, #tpu.memory_space<vmem>> -> memref<1x128xi32, #tpu.memory_space<vmem>>
      %dma_wait3A_273 = tpu.memref_squeeze %dma_wait3A_272 : memref<1x128xi32, #tpu.memory_space<vmem>> -> memref<128xi32, #tpu.memory_space<vmem>>
      %dma_wait3A_274 = arith.constant 0 : i32
      %dma_wait3A_275 = arith.constant 0 : i32
      %dma_wait3A_276 = tpu.memref_slice %arg2[%dma_wait3A_274, %dma_wait3A_275] : memref<200192x64xf32, #tpu.memory_space<hbm>> -> memref<200192x64xf32, #tpu.memory_space<hbm>>
      tpu.wait_indirect_dma semaphore(%arg7 : memref<!tpu.dma_semaphore, #tpu.memory_space<semaphore_mem>>) src(%dma_wait3A_276 : memref<200192x64xf32, #tpu.memory_space<hbm>>) dst(%dma_wait3A_270 : memref<128x64xf32, #tpu.memory_space<vmem>>)
      %dma_wait3A_277 = arith.constant 12 : i32
      %dma_wait3A_278 = arith.constant 1536 : i32
      %dma_wait3A_279 = arith.constant 0 : i32
      %dma_wait3A_280 = tpu.memref_slice %arg6[%dma_wait3A_278, %dma_wait3A_279] : memref<1664x64xf32, #tpu.memory_space<vmem>> -> memref<128x64xf32, #tpu.memory_space<vmem>>
      %dma_wait3A_281 = arith.constant 0 : i32
      %dma_wait3A_282 = tpu.memref_slice %arg5[%dma_wait3A_277, %dma_wait3A_281] : memref<13x128xi32, #tpu.memory_space<vmem>> -> memref<1x128xi32, #tpu.memory_space<vmem>>
      %dma_wait3A_283 = tpu.memref_squeeze %dma_wait3A_282 : memref<1x128xi32, #tpu.memory_space<vmem>> -> memref<128xi32, #tpu.memory_space<vmem>>
      %dma_wait3A_284 = arith.constant 0 : i32
      %dma_wait3A_285 = arith.constant 0 : i32
      %dma_wait3A_286 = tpu.memref_slice %arg2[%dma_wait3A_284, %dma_wait3A_285] : memref<200192x64xf32, #tpu.memory_space<hbm>> -> memref<200192x64xf32, #tpu.memory_space<hbm>>
      tpu.wait_indirect_dma semaphore(%arg7 : memref<!tpu.dma_semaphore, #tpu.memory_space<semaphore_mem>>) src(%dma_wait3A_286 : memref<200192x64xf32, #tpu.memory_space<hbm>>) dst(%dma_wait3A_280 : memref<128x64xf32, #tpu.memory_space<vmem>>)
      %mul3A_287 = arith.constant 26 : i32
      %mul3A_288 = arith.muli %add3A_13, %mul3A_287 : i32
      %add3A_289 = arith.constant 896 : i32
      %add3A_290 = arith.addi %mul3A_288, %add3A_289 : i32
      %dma_start3A_291 = arith.constant 896 : i32
      %dma_start3A_292 = arith.constant 0 : i32
      %dma_start3A_293 = tpu.memref_slice %arg6[%dma_start3A_291, %dma_start3A_292] : memref<1664x64xf32, #tpu.memory_space<vmem>> -> memref<768x64xf32, #tpu.memory_space<vmem>>
      %dma_start3A_294 = arith.constant 0 : i32
      %dma_start3A_295 = tpu.memref_slice %arg4[%add3A_290, %dma_start3A_294] : memref<425984x64xf32, #tpu.memory_space<hbm>> -> memref<768x64xf32, #tpu.memory_space<hbm>>
      %dma_start3A_296 = arith.constant 0 : i32
      %dma_start3A_297 = tpu.memref_slice %arg4[%add3A_290, %dma_start3A_296] : memref<425984x64xf32, #tpu.memory_space<hbm>> -> memref<768x64xf32, #tpu.memory_space<hbm>>
      %dma_start3A_298 = arith.constant 896 : i32
      %dma_start3A_299 = arith.constant 0 : i32
      %dma_start3A_300 = tpu.memref_slice %arg6[%dma_start3A_298, %dma_start3A_299] : memref<1664x64xf32, #tpu.memory_space<vmem>> -> memref<768x64xf32, #tpu.memory_space<vmem>>
      tpu.enqueue_dma source(%dma_start3A_300 : memref<768x64xf32, #tpu.memory_space<vmem>>) target(%dma_start3A_297 : memref<768x64xf32, #tpu.memory_space<hbm>>) target_semaphore(%arg8 : memref<!tpu.dma_semaphore, #tpu.memory_space<semaphore_mem>>)
      %dma_wait3A_301 = arith.constant 0 : i32
      %dma_wait3A_302 = arith.constant 0 : i32
      %dma_wait3A_303 = tpu.memref_slice %arg6[%dma_wait3A_301, %dma_wait3A_302] : memref<1664x64xf32, #tpu.memory_space<vmem>> -> memref<896x64xf32, #tpu.memory_space<vmem>>
      %dma_wait3A_304 = arith.constant 0 : i32
      %dma_wait3A_305 = tpu.memref_slice %arg4[%mul3A_156, %dma_wait3A_304] : memref<425984x64xf32, #tpu.memory_space<hbm>> -> memref<896x64xf32, #tpu.memory_space<hbm>>
      %dma_wait3A_306 = arith.constant 0 : i32
      %dma_wait3A_307 = tpu.memref_slice %arg4[%mul3A_156, %dma_wait3A_306] : memref<425984x64xf32, #tpu.memory_space<hbm>> -> memref<896x64xf32, #tpu.memory_space<hbm>>
      %dma_wait3A_308 = arith.constant 0 : i32
      %dma_wait3A_309 = arith.constant 0 : i32
      %dma_wait3A_310 = tpu.memref_slice %arg6[%dma_wait3A_308, %dma_wait3A_309] : memref<1664x64xf32, #tpu.memory_space<vmem>> -> memref<896x64xf32, #tpu.memory_space<vmem>>
      tpu.wait_dma2 semaphore(%arg8 : memref<!tpu.dma_semaphore, #tpu.memory_space<semaphore_mem>>) src(%dma_wait3A_310 : memref<896x64xf32, #tpu.memory_space<vmem>>) dst(%dma_wait3A_307 : memref<896x64xf32, #tpu.memory_space<hbm>>)
      %dma_wait3A_311 = arith.constant 896 : i32
      %dma_wait3A_312 = arith.constant 0 : i32
      %dma_wait3A_313 = tpu.memref_slice %arg6[%dma_wait3A_311, %dma_wait3A_312] : memref<1664x64xf32, #tpu.memory_space<vmem>> -> memref<768x64xf32, #tpu.memory_space<vmem>>
      %dma_wait3A_314 = arith.constant 0 : i32
      %dma_wait3A_315 = tpu.memref_slice %arg4[%add3A_290, %dma_wait3A_314] : memref<425984x64xf32, #tpu.memory_space<hbm>> -> memref<768x64xf32, #tpu.memory_space<hbm>>
      %dma_wait3A_316 = arith.constant 0 : i32
      %dma_wait3A_317 = tpu.memref_slice %arg4[%add3A_290, %dma_wait3A_316] : memref<425984x64xf32, #tpu.memory_space<hbm>> -> memref<768x64xf32, #tpu.memory_space<hbm>>
      %dma_wait3A_318 = arith.constant 896 : i32
      %dma_wait3A_319 = arith.constant 0 : i32
      %dma_wait3A_320 = tpu.memref_slice %arg6[%dma_wait3A_318, %dma_wait3A_319] : memref<1664x64xf32, #tpu.memory_space<vmem>> -> memref<768x64xf32, #tpu.memory_space<vmem>>
      tpu.wait_dma2 semaphore(%arg8 : memref<!tpu.dma_semaphore, #tpu.memory_space<semaphore_mem>>) src(%dma_wait3A_320 : memref<768x64xf32, #tpu.memory_space<vmem>>) dst(%dma_wait3A_317 : memref<768x64xf32, #tpu.memory_space<hbm>>)
    }
    %scan3A_9 = arith.constant 8 : i32
    return
  }
}

module attributes {stable_mosaic.version = 14 : i64} {
  func.func @_table_body(%arg0: i32, %arg1: memref<64x4352xf32, #tpu.memory_space<vmem>>, %arg2: memref<1x64xf32, #tpu.memory_space<vmem>>, %arg3: memref<4352x128xf32, #tpu.memory_space<vmem>>) attributes {dimension_semantics = [#tpu.dimension_semantics<arbitrary>], iteration_bounds = array<i64: 23>, scalar_prefetch = 0 : i64, scratch_operands = 0 : i64, tpu.core_type = #tpu.core_type<tc>, window_params = [{transform_indices = @transform_0, window_bounds = array<i64: 64, 4352>}, {pipeline_mode = #tpu.pipeline_mode<synchronous>, transform_indices = @transform_1, window_bounds = array<i64: 1, 64>}, {transform_indices = @transform_2, window_bounds = array<i64: 4352, 128>}]} {
    %get3A = arith.constant 0 : index
    %get3A_0 = arith.constant 0 : index
    %get3A_1 = vector.load %arg1[%get3A, %get3A_0] : memref<64x4352xf32, #tpu.memory_space<vmem>>, vector<64x4352xf32>
    %transpose3A = tpu.transpose %get3A_1, [1, 0] : vector<64x4352xf32> -> vector<4352x64xf32>
    %get3A_2 = arith.constant 0 : index
    %get3A_3 = arith.constant 0 : index
    %get3A_4 = vector.load %arg2[%get3A_2, %get3A_3] : memref<1x64xf32, #tpu.memory_space<vmem>>, vector<1x64xf32>
    %add3A = vector.broadcast %get3A_4 : vector<1x64xf32> to vector<4352x64xf32>
    %add3A_5 = arith.addf %transpose3A, %add3A : vector<4352x64xf32>
    %swap3A = arith.constant 0 : index
    %swap3A_6 = arith.constant 0 : index
    %swap3A_7 = vector.load %arg3[%swap3A, %swap3A_6] : memref<4352x128xf32, #tpu.memory_space<vmem>>, vector<4352x64xf32>
    tpu.vector_store %arg3[%swap3A, %swap3A_6], %add3A_5 {strides = array<i32>} : memref<4352x128xf32, #tpu.memory_space<vmem>>, vector<4352x64xf32>,
    %broadcast_in_dim3A = arith.constant 0.000000e+00 : f32
    %broadcast_in_dim3A_8 = vector.broadcast %broadcast_in_dim3A : f32 to vector<4352x64xf32>
    %swap3A_9 = arith.constant 0 : index
    %swap3A_10 = arith.constant 64 : index
    %swap3A_11 = vector.load %arg3[%swap3A_9, %swap3A_10] : memref<4352x128xf32, #tpu.memory_space<vmem>>, vector<4352x64xf32>
    tpu.vector_store %arg3[%swap3A_9, %swap3A_10], %broadcast_in_dim3A_8 {strides = array<i32>} : memref<4352x128xf32, #tpu.memory_space<vmem>>, vector<4352x64xf32>,
    return
  }
  func.func @transform_0(%arg0: i32) -> (i32, i32) {
    %c0_i32 = arith.constant 0 : i32
    %c0_i32_0 = arith.constant 0 : i32
    return %c0_i32, %arg0 : i32, i32
  }
  func.func @transform_1(%arg0: i32) -> (i32, i32) {
    %c0_i32 = arith.constant 0 : i32
    %c0_i32_0 = arith.constant 0 : i32
    %c0_i32_1 = arith.constant 0 : i32
    return %c0_i32, %c0_i32_0 : i32, i32
  }
  func.func @transform_2(%arg0: i32) -> (i32, i32) {
    %c0_i32 = arith.constant 0 : i32
    %c0_i32_0 = arith.constant 0 : i32
    return %arg0, %c0_i32 : i32, i32
  }
}

</mosaic_0001>

<sc_bundles>
// kernel: kernel.4.cloned.1.call-start
scs
__scs_entry_jumppad:
0x0: {  	(pc) =	sbr.rel $0x88, $3  }
0x1: {  	(tag) =	ssettag $0x0;
	lr =	simm.s32 $0x1  }
0x2: {  	[smem:$0x3F9E] =	sst lr;
	_ =	strace $0xD0000000  }
0x3: {  	_ = 	snop  }
0x4: {  	_ = 	snop  }
0x5: {  	_ = 	snop  }
0x6: {  	_ = 	snop  }
0x7: {  	_ = 	snop  }
__scs_overlays_trampoline_lowered:
0x8: {  	[smem:$0x3FAD] =	sst s0  }
0x9: {  	[smem:$0x3FAE] =	sst s1  }
0xa: {  	[smem:$0x3FAF] =	sst s2  }
0xb: {  	[smem:$0x3FB0] =	sst s3  }
0xc: {  	[smem:$0x3FB1] =	sst s4  }
0xd: {  	[smem:$0x3FB2] =	sst s5  }
0xe: {  	[smem:$0x3FB3] =	sst s6  }
0xf: {  	[smem:$0x3FB4] =	sst s7  }
0x10: {  	[smem:$0x3FB5] =	sst s8  }
0x11: {  	[smem:$0x3FB6] =	sst s9;
	s0 =	simm.s32 @!p0 $0x0  }
0x12: {  	s1 =	sld [smem:$0x3F9C];
	s0 =	simm.s32 @p0 $0x1  }
0x13: {  	[smem:$0x3FB7] =	sst s0;
	s0 =	simm.s32 @!p1 $0x0  }
0x14: {  	s2 =	sld [smem:$0x3F9B];
	s0 =	simm.s32 @p1 $0x1  }
0x15: {  	[smem:$0x3FB8] =	sst s0;
	s0 =	simm.s32 @!p2 $0x0  }
0x16: {  	s3 =	sld [smem:$0x3FDB];
	s0 =	simm.s32 @p2 $0x1  }
0x17: {  	s4 =	simm.s32 $0x1BF5;
	[smem:$0x3FBA] =	sst s0  }
0x18: {  	s0 =	sld [smem:$0x3F9D];
	_ =	swait.ge [sflag:s4], $0x0  }
0x19: {  	s7 =	sld [smem:$0x3F9E]  }
0x1a: {  	s8 =	sadd.s32 $0xFFFFE003, lr  }
0x1b: {  	s9 =	sadd.s32 $0xFFFFFEF7, lr;
	s5 =	simm.s32 $0xFFFFFFFF;
	p2 =	slt.u32 s8, $0xFFFFF086  }
0x1c: {  	p1 =	slt.u32 s9, $0xF7A;
	s5 =	simm.s32 @!p2 $0x0  }
0x1d: {  	s5 =	simm.s32 @p1 $0x1;
	p0 =	seq.s32 s7, s2  }
0x1e: {  	s7 =	smul.u32 @!p0 $0xF7A, s2;
	p2 =	seq.s32 @!p0 s5, $0x0  }
0x1f: {  	s9 =	smul.u32 $0xF7A, s1;
	s8 =	simm.s32 @!p0 $0x1BF5;
	p2 =	por !p2, p0  }
0x20: {  	[sflag:s8] =	ssyncset.s32 @!p0 $0xFFFFF086;
	s6 =	sadd.s32 @!p0 s3, s7;
	s7 =	simm.s32 @!p0 $0x108  }
0x21: {  	s3 =	sadd.s32 s3, s9;
	s6 =	sadd.s32 @!p0 $0x88, s6;
	s7 =	simm.s32 @p2 $0x1082  }
0x22: {  	[simem:s7], [sflag:s8] =	dma.local @!p0 [hbm:s6], $0xF7A  }
0x23: {  	s9 =	sor.u32 $0xD0000000, s2;
	s6 =	simm.s32 $0x108;
	_ =	swait.ge @!p0 [sflag:s8], $0x0  }
0x24: {  	s3 =	sadd.s32 $0x88, s3;
	s6 =	simm.s32 @!p1 $0x1082;
	[sflag:s4] =	ssyncset.s32 $0xFFFFF086  }
0x25: {  	[simem:s6], [sflag:s4] =	dma.local [hbm:s3], $0xF7A  }
0x26: {  	[smem:$0x3F9E] =	sst s1;
	(tag) =	ssettag s2;
	_ =	strace s9  }
0x27: {  	s1 =	sld [smem:$0x3FAE]  }
0x28: {  	s2 =	sld [smem:$0x3FAF]  }
0x29: {  	s4 =	sld [smem:$0x3FB1]  }
0x2a: {  	p0 =	seq.s32 s5, $0x0;
	s5 =	sld [smem:$0x3FB2]  }
0x2b: {  	s6 =	sld [smem:$0x3FB3]  }
0x2c: {  	s7 =	sld [smem:$0x3FB4]  }
0x2d: {  	s3 =	simm.s32 $0x108;
	s8 =	sld [smem:$0x3FB5]  }
0x2e: {  	s3 =	simm.s32 @!p0 $0x1082;
	s9 =	sld [smem:$0x3FB6]  }
0x2f: {  	lr =	sadd.s32 s0, s3;
	s0 =	sld [smem:$0x3FAD]  }
0x30: {  	s3 =	sld [smem:$0x3FB0]  }
0x31: {  	[smem:$0x3FB9] =	sst s10  }
0x32: {  	s10 =	sld [smem:$0x3FB7];
	_ =	sdelay $0x3  }
0x33: {  	p0 =	seq.s32 s10, $0x1;
	s10 =	sld [smem:$0x3FB9];
	_ =	sdelay $0x3  }
0x34: {  	[smem:$0x3FB9] =	sst s10  }
0x35: {  	s10 =	sld [smem:$0x3FB8];
	_ =	sdelay $0x3  }
0x36: {  	p1 =	seq.s32 s10, $0x1;
	s10 =	sld [smem:$0x3FB9];
	_ =	sdelay $0x3  }
0x37: {  	[smem:$0x3FB9] =	sst s10  }
0x38: {  	s10 =	sld [smem:$0x3FBA]  }
0x39: {  	_ = 	snop;
	(pc) =	sbr.ind lr, $3  }
0x3a: {  	_ = 	snop  }
0x3b: {  	_ = 	snop  }
0x3c: {  	p2 =	seq.s32 s10, $0x1;
	s10 =	sld [smem:$0x3FB9]  }
0x3d: {  	_ =	shalt  }
0x3e: {  	_ =	shalt  }
0x3f: {  	_ =	shalt  }
0x40: {  	_ =	shalt  }
0x41: {  	_ =	shalt  }
0x42: {  	_ =	shalt  }
0x43: {  	_ =	shalt  }
0x44: {  	_ =	shalt  }
0x45: {  	_ =	shalt  }
0x46: {  	_ =	shalt  }
0x47: {  	_ =	shalt  }
0x48: {  	_ =	shalt  }
0x49: {  	_ =	shalt  }
0x4a: {  	_ =	shalt  }
0x4b: {  	_ =	shalt  }
0x4c: {  	_ =	shalt  }
0x4d: {  	_ =	shalt  }
0x4e: {  	_ =	shalt  }
0x4f: {  	_ =	shalt  }
0x50: {  	_ =	shalt  }
0x51: {  	_ =	shalt  }
0x52: {  	_ =	shalt  }
0x53: {  	_ =	shalt  }
0x54: {  	_ =	shalt  }
0x55: {  	_ =	shalt  }
0x56: {  	_ =	shalt  }
0x57: {  	_ =	shalt  }
0x58: {  	_ =	shalt  }
0x59: {  	_ =	shalt  }
0x5a: {  	_ =	shalt  }
0x5b: {  	_ =	shalt  }
0x5c: {  	_ =	shalt  }
0x5d: {  	_ =	shalt  }
0x5e: {  	_ =	shalt  }
0x5f: {  	_ =	shalt  }
0x60: {  	_ =	shalt  }
0x61: {  	_ =	shalt  }
0x62: {  	_ =	shalt  }
0x63: {  	_ =	shalt  }
0x64: {  	_ =	shalt  }
0x65: {  	_ =	shalt  }
0x66: {  	_ =	shalt  }
0x67: {  	_ =	shalt  }
0x68: {  	_ =	shalt  }
0x69: {  	_ =	shalt  }
0x6a: {  	_ =	shalt  }
0x6b: {  	_ =	shalt  }
0x6c: {  	_ =	shalt  }
0x6d: {  	_ =	shalt  }
0x6e: {  	_ =	shalt  }
0x6f: {  	_ =	shalt  }
0x70: {  	_ =	shalt  }
0x71: {  	_ =	shalt  }
0x72: {  	_ =	shalt  }
0x73: {  	_ =	shalt  }
0x74: {  	_ =	shalt  }
0x75: {  	_ =	shalt  }
0x76: {  	_ =	shalt  }
0x77: {  	_ =	shalt  }
0x78: {  	_ =	shalt  }
0x79: {  	_ =	shalt  }
0x7a: {  	_ =	shalt  }
0x7b: {  	_ =	shalt  }
0x7c: {  	_ =	shalt  }
0x7d: {  	_ =	shalt  }
0x7e: {  	_ =	shalt  }
0x7f: {  	_ =	shalt  }
0x80: {  	_ =	shalt  }
0x81: {  	_ =	shalt  }
0x82: {  	_ =	shalt  }
0x83: {  	_ =	shalt  }
0x84: {  	_ =	shalt  }
0x85: {  	_ =	shalt  }
0x86: {  	_ =	shalt  }
0x87: {  	_ =	shalt  }
.Lfunc_end0:
.L_simem_size_0:
called_computation.1_lowered:
.L_overlay_start_0:
0x88: {  	s2 =	sld [smem:$0x3FD9]  }
0x89: {  	s3 =	sld [smem:$0x3FFE];
	_ =	sdelay $0x1  }
0x8a: {  	s1 =	srdreg.scid  }
0x8b: {  	s0 =	sand.u32 $0x1, s1  }
0x8c: {  	s17 =	sshll.u32 s0, $0xA;
	s2 =	sadd.s32 s3, s2  }
0x8d: {  	s2 =	sadd.s32 s2, s17  }
0x8e: {  	[smem:$0x3FC5] =	sst s2  }
0x8f: {  	_ = 	snop  }
0x90: {  	s2 =	sld [smem:$0x3FD0];
	(tm) =	ssettm $0x1  }
0x91: {  	s18 =	sld [smem:$0x3FFB];
	_ =	sdelay $0x3  }
0x92: {  	_ =	strace s18  }
0x93: {  	s3 =	sld [smem:$0x3FFC];
	_ =	sdelay $0x3  }
0x94: {  	_ =	strace s3  }
0x95: {  	s3 =	sld [smem:$0x3FFD];
	_ =	sdelay $0x3  }
0x96: {  	_ =	strace s3  }
0x97: {  	_ =	strace $0x8FFFFFFF  }
0x98: {  	s19 =	sld [smem:$0x3FDB];
	_ =	sdelay $0x1  }
0x99: {  	s4 =	simm.s32 $_scs_section_size  }
0x9a: {  	s5 =	simm.s32 $_size__tile_overlayer_lowered;
	s6 =	simm.s32 $_tile_overlayer_lowered  }
0x9b: {  	s22 =	simm.s32 $0x1BFF;
	s21 =	sshll.u32 s6, $0x1;
	s3 =	sadd.s32 s4, s19  }
0x9c: {  	s7 =	simm.s32 $0x0;
	s20 =	sshll.u32 s5, $0x1;
	s5 =	sadd.s32 s21, s3  }
0x9d: {  	[timem:s7], [sflag:s22] =	dma.local [hbm:s5], s20  }
0x9e: {  	_ =	swait.ge [sflag:s22], s20  }
0x9f: {  	s4 =	ssub.s32 $0x0, s20;
	[sflag:s22] =	ssyncset.done $0x0  }
0xa0: {  	[sflag:s22] =	ssyncadd.s32 s4;
	_ =	sdelay $0x1  }
0xa1: {  	s23 =	simm.s32 $0x1B8B  }
0xa2: {  	_ =	swait.ge [sflag:s23], $0x1  }
0xa3: {  	[sflag:s23] =	ssyncset.done $0x0  }
0xa4: {  	s25 =	simm.s32 $0x1B8E;
	s24 =	sld [smem:$0x3FFE];
	[sflag:s23] =	ssyncadd.s32 $0xFFFFFFFF  }
0xa5: {  	s26 =	simm.s32 $execute0_lowered;
	[smem:$0x3FD2] =	sst s25  }
0xa6: {  	s5 =	sshll.u32 s26, $0x1;
	_ =	strace $0x80000046;
	[dreg:$0x1] =	wrdreg $0xFFFFFFFF  }
0xa7: {  	s28 =	simm.s32 $_size_execute0_lowered;
	s3 =	sadd.s32 s3, s5;
	[dreg:$0x0] =	wrdreg $0x0  }
0xa8: {  	s5 =	sshll.u32 s28, $0x1;
	[dreg:$0x2] =	wrdreg s3  }
0xa9: {  	[dreg:$0x3] =	wrdreg s5  }
0xaa: {  	[dreg:$0x4] =	wrdreg $0xC0  }
0xab: {  	_ =	task [dreg:s7], $0x5FFFF  }
0xac: {  	[dreg:$0x1] =	wrdreg $0xFFFFFFFF  }
0xad: {  	[dreg:$0x0] =	wrdreg $0x60  }
0xae: {  	[dreg:$0x2] =	wrdreg s24  }
0xaf: {  	[dreg:$0x3] =	wrdreg s2  }
0xb0: {  	[dreg:$0x4] =	wrdreg $0x9  }
0xb1: {  	_ =	task.clear_ibuf [dreg:s7], $0x5FFFF;
	_ =	strace $0x90000046  }
0xb2: {  	s29 =	simm.s32 $0x9;
	_ =	strace $0x80000048  }
0xb3: {  	_ =	swait.ge [sflag:s29], $0x1  }
0xb4: {  	[sflag:s29] =	ssyncadd.s32 $0xFFFFFFFF  }
0xb5: {  	_ =	strace $0x90000048  }
0xb6: {  	_ =	sfence  }
0xb7: {  	s30 =	sld [smem:$0x0];
	_ =	sdelay $0x2  }
0xb8: {  	s31 =	sshll.u32 s1, $0xD;
	s1 =	sshrl.u32 s1, $0x2  }
0xb9: {  	s3 =	sand.u32 $0x4000, s31;
	s1 =	sadd.s32 s1, s30  }
0xba: {  	s0 =	sor.u32 s3, s0;
	s1 =	sshll.u32 s1, $0x11  }
0xbb: {  	s0 =	sor.u32 s1, s0  }
0xbc: {  	s0 =	sadd.s32 $0x8F2B, s0  }
0xbd: {  	[sflag:s0] =	ssyncadd.remote.s32 $0x1  }
0xbe: {  	_ =	sfence.sel $0xFFFF  }
0xbf: {  	[dreg:$0x0] =	wrdreg $0xFFFFFFFF;
	(pc) =	sbr.abs _section_cstart, $3  }
0xc0: {  	[dreg:$0x1] =	wrdreg $0xFFFFFFFF  }
0xc1: {  	_ =	task.clear_ibuf [dreg:s7], $0x2FFFF;
	_ =	strace $0x9FFFFFFF  }
0xc2: {  	(tm) =	ssettm $0x7FFFFFFF  }
0xc3: {  	_ =	shalt  }
tec
execute0_lowered:
.L_overlay_start_1:
0x0: {  	(tag) =	ssettag $0x1  }
0x1: {  	s0 =	rddreg [dreg:$0x0]  }
0x2: {  	s8 =	stileid.u32;
	s1 =	srdreg.scid  }
0x3: {  	s4 =	rddreg [dreg:$0x1];
	s2 =	simm.s32 $0x0;
	s23 =	simm.s32 $0x2680  }
0x4: {  	s25 =	simm.s32 $0x100;
	s26 =	simm.s32 $0x4680;
	s30 =	simm.s32 $0x180  }
0x5: {  	s31 =	simm.s32 $0x6680;
	s10 =	simm.s32 $0x8680;
	s11 =	simm.s32 $0x280  }
0x6: {  	s12 =	simm.s32 $0xA680;
	s13 =	simm.s32 $0x300;
	s14 =	simm.s32 $0xC680  }
0x7: {  	s15 =	simm.s32 $0x1;
	s16 =	simm.s32 $0x380;
	s17 =	simm.s32 $0xE680  }
0x8: {  	s18 =	simm.s32 $0x400;
	s28 =	simm.s32 $0x18680;
	s29 =	simm.s32 $0x2  }
0x9: {  	s1 =	sand.u32 $0x1, s1;
	s5 =	smul.u32 $0x1A0000, s8;
	[smem:$0x7FF] =	sst s2  }
0xa: {  	s7 =	smul.u32 $0xD00, s8;
	_ =	strace $0x80000047;
	[dreg:$0x5] =	wrdreg s23  }
0xb: {  	s3 =	sadd.s32 $0xDA00, s0;
	s19 =	smul.u32 $0x34000, s8;
	[dreg:$0x6] =	wrdreg s25  }
0xc: {  	s8 =	simm.s32 $0x680;
	s6 =	smul.u32 $0xD0000, s1;
	[dreg:$0x7] =	wrdreg s26  }
0xd: {  	s20 =	ssub.s32 $0x2, s1;
	s21 =	smul.u32 $0x1A000, s1;
	[dreg:$0x8] =	wrdreg s30  }
0xe: {  	s1 =	smul.u32 $0x680, s1;
	[dreg:$0x9] =	wrdreg s31;
	s23 =	simm.s32 $0x14680  }
0xf: {  	s25 =	simm.s32 $0x16680;
	s26 =	simm.s32 $0x600;
	s0 =	sadd.s32 s7, s0  }
0x10: {  	s9 =	sshrl.u32 s20, $0x1;
	s7 =	simm.s32 $0x80;
	s5 =	sadd.s32 s6, s5  }
0x11: {  	s22 =	ssub.s32 s20, s9;
	s0 =	sadd.s32 s1, s0;
	s6 =	simm.s32 $0x3  }
0x12: {  	s9 =	simm.s32 $0x200;
	s20 =	simm.s32 $0x480;
	s1 =	simm.s32 $0x0  }
0x13: {  	s5 =	sor.u32 $0xE000, s5;
	s24 =	smax.u32 s22, $0x1;
	s0 =	sadd.s32 $0xA00, s0  }
0x14: {  	s22 =	simm.s32 $0x500;
	s5 =	sshrl.u32 s5, $0x3;
	[dreg:$0xa] =	wrdreg s24  }
0x15: {  	[dreg:$0xb] =	wrdreg s0;
	s5 =	sadd.s32 s5, s4;
	s4 =	sadd.s32 s19, s4  }
0x16: {  	s24 =	simm.s32 $0x580;
	[dreg:$0x3] =	wrdreg s5;
	s4 =	sadd.s32 s21, s4  }
0x17: {  	s19 =	simm.s32 $0x10680;
	s21 =	simm.s32 $0x12680;
	[dreg:$0x4] =	wrdreg s4  }
.LBB2_1:
0x18: {  	[dreg:$0xc] =	wrdreg s1  }
0x19: {  	s1 =	rddreg [dreg:$0xb]  }
0x1a: {  	[tilespmem:s2], [sflag:$0x3] =	stream.linear.gather [hbm4b:s1+s2], $0x680, $0x38;
	[tilespmem:$0x1A680] =	vst v63  }
0x1b: {  	_ =	swait.ge [sflag:s6], $0x680  }
0x1c: {  	s0 =	rddreg [dreg:$0x6];
	[sflag:s6] =	ssyncset.done $0x0  }
0x1d: {  	s5 =	rddreg [dreg:$0x5];
	[sflag:s6] =	ssyncadd.s32 $0xFFFFF980  }
0x1e: {  	[tilespmem:s8], [sflag:$0x1] =	stream.indirect.gather [hbm4b:s3+s7], $0x40, s2, s7, $0xb8;
	[tilespmem:$0x1A680] =	vst v63  }
0x1f: {  	s31 =	rddreg [dreg:$0x7]  }
0x20: {  	[tilespmem:s5], [sflag:$0x1] =	stream.indirect.gather [hbm4b:s3+s7], $0x40, s7, s7, $0xb8;
	[tilespmem:$0x1A680] =	vst v63  }
0x21: {  	s4 =	rddreg [dreg:$0x9]  }
0x22: {  	[tilespmem:s31], [sflag:$0x1] =	stream.indirect.gather [hbm4b:s3+s7], $0x40, s0, s7, $0xb8;
	[tilespmem:$0x1A680] =	vst v63  }
0x23: {  	s30 =	rddreg [dreg:$0x8]  }
0x24: {  	[tilespmem:s4], [sflag:$0x1] =	stream.indirect.gather [hbm4b:s3+s7], $0x40, s30, s7, $0xb8;
	[tilespmem:$0x1A680] =	vst v63  }
0x25: {  	_ = 	snop  }
0x26: {  	[tilespmem:s10], [sflag:$0x1] =	stream.indirect.gather [hbm4b:s3+s7], $0x40, s9, s7, $0xb8;
	[tilespmem:$0x1A680] =	vst v63  }
0x27: {  	_ = 	snop  }
0x28: {  	[tilespmem:s12], [sflag:$0x1] =	stream.indirect.gather [hbm4b:s3+s7], $0x40, s11, s7, $0xb8;
	[tilespmem:$0x1A680] =	vst v63  }
0x29: {  	_ = 	snop  }
0x2a: {  	[tilespmem:s14], [sflag:$0x1] =	stream.indirect.gather [hbm4b:s3+s7], $0x40, s13, s7, $0xb8;
	[tilespmem:$0x1A680] =	vst v63  }
0x2b: {  	_ =	swait.ge [sflag:s15], $0x2000  }
0x2c: {  	[sflag:s15] =	ssyncset.done $0x0  }
0x2d: {  	[sflag:s15] =	ssyncadd.s32 $0xFFFFE000  }
0x2e: {  	_ =	swait.ge [sflag:s15], $0x2000  }
0x2f: {  	[sflag:s15] =	ssyncset.done $0x0  }
0x30: {  	[sflag:s15] =	ssyncadd.s32 $0xFFFFE000  }
0x31: {  	_ =	swait.ge [sflag:s15], $0x2000  }
0x32: {  	[sflag:s15] =	ssyncset.done $0x0  }
0x33: {  	[sflag:s15] =	ssyncadd.s32 $0xFFFFE000  }
0x34: {  	_ =	swait.ge [sflag:s15], $0x2000  }
0x35: {  	[sflag:s15] =	ssyncset.done $0x0  }
0x36: {  	[sflag:s15] =	ssyncadd.s32 $0xFFFFE000  }
0x37: {  	_ =	swait.ge [sflag:s15], $0x2000  }
0x38: {  	[sflag:s15] =	ssyncset.done $0x0  }
0x39: {  	[sflag:s15] =	ssyncadd.s32 $0xFFFFE000  }
0x3a: {  	_ =	swait.ge [sflag:s15], $0x2000  }
0x3b: {  	[sflag:s15] =	ssyncset.done $0x0  }
0x3c: {  	[sflag:s15] =	ssyncadd.s32 $0xFFFFE000  }
0x3d: {  	_ =	swait.ge [sflag:s15], $0x2000  }
0x3e: {  	s9 =	rddreg [dreg:$0x4];
	[sflag:s15] =	ssyncset.done $0x0  }
0x3f: {  	[sflag:s15] =	ssyncadd.s32 $0xFFFFE000;
	s0 =	sadd.s32 $0x0, s9  }
0x40: {  	[hbm4b:s0+s2] =	stream.linear.scatter [tilespmem:s8], [sflag:$0x2], $0xE000, $0x38;
	[tilespmem:$0x1A680] =	vst v63  }
0x41: {  	_ = 	snop  }
0x42: {  	[tilespmem:s17], [sflag:$0x1] =	stream.indirect.gather [hbm4b:s3+s7], $0x40, s16, s7, $0xb8;
	[tilespmem:$0x1A680] =	vst v63  }
0x43: {  	_ = 	snop  }
0x44: {  	[tilespmem:s19], [sflag:$0x1] =	stream.indirect.gather [hbm4b:s3+s7], $0x40, s18, s7, $0xb8;
	[tilespmem:$0x1A680] =	vst v63  }
0x45: {  	_ = 	snop  }
0x46: {  	[tilespmem:s21], [sflag:$0x1] =	stream.indirect.gather [hbm4b:s3+s7], $0x40, s20, s7, $0xb8;
	[tilespmem:$0x1A680] =	vst v63  }
0x47: {  	_ = 	snop  }
0x48: {  	[tilespmem:s23], [sflag:$0x1] =	stream.indirect.gather [hbm4b:s3+s7], $0x40, s22, s7, $0xb8;
	[tilespmem:$0x1A680] =	vst v63  }
0x49: {  	_ = 	snop  }
0x4a: {  	[tilespmem:s25], [sflag:$0x1] =	stream.indirect.gather [hbm4b:s3+s7], $0x40, s24, s7, $0xb8;
	[tilespmem:$0x1A680] =	vst v63  }
0x4b: {  	_ = 	snop  }
0x4c: {  	[tilespmem:s28], [sflag:$0x1] =	stream.indirect.gather [hbm4b:s3+s7], $0x40, s26, s7, $0xb8;
	[tilespmem:$0x1A680] =	vst v63  }
0x4d: {  	_ =	swait.ge [sflag:s15], $0x2000  }
0x4e: {  	[sflag:s15] =	ssyncset.done $0x0  }
0x4f: {  	[sflag:s15] =	ssyncadd.s32 $0xFFFFE000  }
0x50: {  	_ =	swait.ge [sflag:s15], $0x2000  }
0x51: {  	[sflag:s15] =	ssyncset.done $0x0  }
0x52: {  	[sflag:s15] =	ssyncadd.s32 $0xFFFFE000  }
0x53: {  	_ =	swait.ge [sflag:s15], $0x2000  }
0x54: {  	[sflag:s15] =	ssyncset.done $0x0  }
0x55: {  	[sflag:s15] =	ssyncadd.s32 $0xFFFFE000  }
0x56: {  	_ =	swait.ge [sflag:s15], $0x2000  }
0x57: {  	[sflag:s15] =	ssyncset.done $0x0  }
0x58: {  	[sflag:s15] =	ssyncadd.s32 $0xFFFFE000  }
0x59: {  	_ =	swait.ge [sflag:s15], $0x2000  }
0x5a: {  	[sflag:s15] =	ssyncset.done $0x0  }
0x5b: {  	[sflag:s15] =	ssyncadd.s32 $0xFFFFE000  }
0x5c: {  	_ =	swait.ge [sflag:s15], $0x2000  }
0x5d: {  	s30 =	rddreg [dreg:$0x3];
	[sflag:s15] =	ssyncset.done $0x0  }
0x5e: {  	[sflag:s15] =	ssyncadd.s32 $0xFFFFE000;
	s0 =	sadd.s32 $0x0, s30  }
0x5f: {  	[hbm4b:s0+s2] =	stream.linear.scatter [tilespmem:s17], [sflag:$0x2], $0xC000, $0x38;
	[tilespmem:$0x1A680] =	vst v63  }
0x60: {  	_ =	swait.ge [sflag:s29], $0xE000  }
0x61: {  	[sflag:s29] =	ssyncset.done $0x0  }
0x62: {  	[sflag:s29] =	ssyncadd.s32 $0xFFFF2000  }
0x63: {  	s5 =	smov.u32 s1;
	s31 =	simm.s32 $0x3400;
	_ =	swait.ge [sflag:s29], $0xC000  }
.LBB2_2:
0x64: {  	[sflag:s29] =	ssyncset.done $0x0  }
0x65: {  	s5 =	sadd.s32 $0xD0, s5;
	[sflag:s29] =	ssyncadd.s32 $0xFFFF4000  }
0x66: {  	[tilespmem:s2], [sflag:$0x3] =	stream.linear.gather [hbm4b:s5+s2], $0x680, $0x38;
	[tilespmem:$0x1A680] =	vst v63  }
0x67: {  	_ =	swait.ge [sflag:s6], $0x680  }
0x68: {  	[sflag:s6] =	ssyncset.done $0x0;
	s4 =	rddreg [dreg:$0x6]  }
0x69: {  	s1 =	rddreg [dreg:$0x5];
	[sflag:s6] =	ssyncadd.s32 $0xFFFFF980  }
0x6a: {  	[tilespmem:s8], [sflag:$0x1] =	stream.indirect.gather [hbm4b:s3+s7], $0x40, s2, s7, $0xb8;
	[tilespmem:$0x1A680] =	vst v63  }
0x6b: {  	s30 =	rddreg [dreg:$0x7]  }
0x6c: {  	[tilespmem:s1], [sflag:$0x1] =	stream.indirect.gather [hbm4b:s3+s7], $0x40, s7, s7, $0xb8;
	[tilespmem:$0x1A680] =	vst v63  }
0x6d: {  	s9 =	rddreg [dreg:$0x9]  }
0x6e: {  	[tilespmem:s30], [sflag:$0x1] =	stream.indirect.gather [hbm4b:s3+s7], $0x40, s4, s7, $0xb8;
	[tilespmem:$0x1A680] =	vst v63  }
0x6f: {  	s1 =	rddreg [dreg:$0x8]  }
0x70: {  	[tilespmem:s9], [sflag:$0x1] =	stream.indirect.gather [hbm4b:s3+s7], $0x40, s1, s7, $0xb8;
	[tilespmem:$0x1A680] =	vst v63  }
0x71: {  	s9 =	simm.s32 $0x200  }
0x72: {  	[tilespmem:s10], [sflag:$0x1] =	stream.indirect.gather [hbm4b:s3+s7], $0x40, s9, s7, $0xb8;
	[tilespmem:$0x1A680] =	vst v63  }
0x73: {  	_ = 	snop  }
0x74: {  	[tilespmem:s12], [sflag:$0x1] =	stream.indirect.gather [hbm4b:s3+s7], $0x40, s11, s7, $0xb8;
	[tilespmem:$0x1A680] =	vst v63  }
0x75: {  	_ = 	snop  }
0x76: {  	[tilespmem:s14], [sflag:$0x1] =	stream.indirect.gather [hbm4b:s3+s7], $0x40, s13, s7, $0xb8;
	[tilespmem:$0x1A680] =	vst v63  }
0x77: {  	_ =	swait.ge [sflag:s15], $0x2000  }
0x78: {  	[sflag:s15] =	ssyncset.done $0x0  }
0x79: {  	[sflag:s15] =	ssyncadd.s32 $0xFFFFE000  }
0x7a: {  	_ =	swait.ge [sflag:s15], $0x2000  }
0x7b: {  	[sflag:s15] =	ssyncset.done $0x0  }
0x7c: {  	[sflag:s15] =	ssyncadd.s32 $0xFFFFE000  }
0x7d: {  	_ =	swait.ge [sflag:s15], $0x2000  }
0x7e: {  	[sflag:s15] =	ssyncset.done $0x0  }
0x7f: {  	[sflag:s15] =	ssyncadd.s32 $0xFFFFE000  }
0x80: {  	_ =	swait.ge [sflag:s15], $0x2000  }
0x81: {  	[sflag:s15] =	ssyncset.done $0x0  }
0x82: {  	[sflag:s15] =	ssyncadd.s32 $0xFFFFE000  }
0x83: {  	_ =	swait.ge [sflag:s15], $0x2000  }
0x84: {  	[sflag:s15] =	ssyncset.done $0x0  }
0x85: {  	[sflag:s15] =	ssyncadd.s32 $0xFFFFE000  }
0x86: {  	_ =	swait.ge [sflag:s15], $0x2000  }
0x87: {  	[sflag:s15] =	ssyncset.done $0x0  }
0x88: {  	[sflag:s15] =	ssyncadd.s32 $0xFFFFE000  }
0x89: {  	_ =	swait.ge [sflag:s15], $0x2000  }
0x8a: {  	s0 =	smov.u32 s31;
	s4 =	rddreg [dreg:$0x4];
	[sflag:s15] =	ssyncset.done $0x0  }
0x8b: {  	[sflag:s15] =	ssyncadd.s32 $0xFFFFE000;
	s1 =	sadd.s32 s0, s4  }
0x8c: {  	[hbm4b:s1+s2] =	stream.linear.scatter [tilespmem:s8], [sflag:$0x2], $0xE000, $0x38;
	[tilespmem:$0x1A680] =	vst v63  }
0x8d: {  	_ = 	snop  }
0x8e: {  	[tilespmem:s17], [sflag:$0x1] =	stream.indirect.gather [hbm4b:s3+s7], $0x40, s16, s7, $0xb8;
	[tilespmem:$0x1A680] =	vst v63  }
0x8f: {  	_ = 	snop  }
0x90: {  	[tilespmem:s19], [sflag:$0x1] =	stream.indirect.gather [hbm4b:s3+s7], $0x40, s18, s7, $0xb8;
	[tilespmem:$0x1A680] =	vst v63  }
0x91: {  	_ = 	snop  }
0x92: {  	[tilespmem:s21], [sflag:$0x1] =	stream.indirect.gather [hbm4b:s3+s7], $0x40, s20, s7, $0xb8;
	[tilespmem:$0x1A680] =	vst v63  }
0x93: {  	_ = 	snop  }
0x94: {  	[tilespmem:s23], [sflag:$0x1] =	stream.indirect.gather [hbm4b:s3+s7], $0x40, s22, s7, $0xb8;
	[tilespmem:$0x1A680] =	vst v63  }
0x95: {  	_ = 	snop  }
0x96: {  	[tilespmem:s25], [sflag:$0x1] =	stream.indirect.gather [hbm4b:s3+s7], $0x40, s24, s7, $0xb8;
	[tilespmem:$0x1A680] =	vst v63  }
0x97: {  	_ = 	snop  }
0x98: {  	[tilespmem:s28], [sflag:$0x1] =	stream.indirect.gather [hbm4b:s3+s7], $0x40, s26, s7, $0xb8;
	[tilespmem:$0x1A680] =	vst v63  }
0x99: {  	_ =	swait.ge [sflag:s15], $0x2000  }
0x9a: {  	[sflag:s15] =	ssyncset.done $0x0  }
0x9b: {  	[sflag:s15] =	ssyncadd.s32 $0xFFFFE000  }
0x9c: {  	_ =	swait.ge [sflag:s15], $0x2000  }
0x9d: {  	[sflag:s15] =	ssyncset.done $0x0  }
0x9e: {  	[sflag:s15] =	ssyncadd.s32 $0xFFFFE000  }
0x9f: {  	_ =	swait.ge [sflag:s15], $0x2000  }
0xa0: {  	[sflag:s15] =	ssyncset.done $0x0  }
0xa1: {  	[sflag:s15] =	ssyncadd.s32 $0xFFFFE000  }
0xa2: {  	_ =	swait.ge [sflag:s15], $0x2000  }
0xa3: {  	[sflag:s15] =	ssyncset.done $0x0  }
0xa4: {  	[sflag:s15] =	ssyncadd.s32 $0xFFFFE000  }
0xa5: {  	_ =	swait.ge [sflag:s15], $0x2000  }
0xa6: {  	[sflag:s15] =	ssyncset.done $0x0  }
0xa7: {  	[sflag:s15] =	ssyncadd.s32 $0xFFFFE000  }
0xa8: {  	_ =	swait.ge [sflag:s15], $0x2000  }
0xa9: {  	s30 =	rddreg [dreg:$0x3];
	[sflag:s15] =	ssyncset.done $0x0  }
0xaa: {  	p0 =	sne.s32 s31, $0x16C00;
	[sflag:s15] =	ssyncadd.s32 $0xFFFFE000;
	s0 =	sadd.s32 s0, s30  }
0xab: {  	[hbm4b:s0+s2] =	stream.linear.scatter [tilespmem:s17], [sflag:$0x2], $0xC000, $0x38;
	[tilespmem:$0x1A680] =	vst v63  }
.Ltmp0:
0xac: {  	_ = 	snop;
	(pc) =	sbr.rel @p0 .LBB2_2-.Ltmp0, $4  }
0xad: {  	_ =	swait.ge [sflag:s29], $0xE000  }
0xae: {  	[sflag:s29] =	ssyncset.done $0x0  }
0xaf: {  	[sflag:s29] =	ssyncadd.s32 $0xFFFF2000  }
0xb0: {  	s31 =	sadd.s32 $0x3400, s31;
	_ =	swait.ge [sflag:s29], $0xC000  }
0xb1: {  	s1 =	rddreg [dreg:$0xc]  }
0xb2: {  	s0 =	rddreg [dreg:$0xa];
	s1 =	sadd.s32 $0x1, s1  }
0xb3: {  	p0 =	sne.s32 s1, s0  }
.Ltmp1:
0xb4: {  	_ = 	snop;
	(pc) =	sbr.rel @p0 .LBB2_1-.Ltmp1, $3  }
0xb5: {  	_ =	sdelay $0x1  }
0xb6: {  	[sflag:s29] =	ssyncset.done $0x0  }
0xb7: {  	[sflag:s29] =	ssyncadd.s32 $0xFFFF4000  }
0xb8: {  	_ =	sfence.sel $0x180000  }
0xb9: {  	[bflag:$0x0] =	sbarrier.arrive $0xFFFF  }
0xba: {  	_ =	strace $0x90000047  }
0xbb: {  	s0 =	stileid.u32;
	[bflag:$0x2] =	sbarrier.arrive $0xFFFF  }
0xbc: {  	p0 =	sne.s32 s0, $0x0;
	s0 =	rddreg [dreg:$0x2]  }
0xbd: {  	s0 =	sadd.s32 @!p0 $0x100000, s0  }
0xbe: {  	[sflag:s0] =	ssyncadd.tile.s32 @!p0 $0x1;
	_ =	shalt  }
.Lfunc_end2:
_tile_overlayer_lowered:
.L_overlay_start_2:
0xbf: {  	(tag) =	ssettag $0x2  }
0xc0: {  	s0 =	rddreg [dreg:$0x0];
	s2 =	stileid.u32  }
0xc1: {  	s1 =	rddreg [dreg:$0x1];
	p0 =	sne.s32 s2, $0x0  }
0xc2: {  	s3 =	rddreg [dreg:$0x2];
	[bflag:$0x3] =	sbarrier.arrive $0xFFFF;
	s2 =	simm.s32 @!p0 $0x1C03  }
0xc3: {  	[timem:s3], [sflag:s2] =	dma.local @!p0 [hbm:s0], s1  }
0xc4: {  	s0 =	simm.s32 @!p0 $0x3  }
0xc5: {  	_ =	swait.ge @!p0 [sflag:s0], s1  }
0xc6: {  	s1 =	ssub.s32 @!p0 $0x0, s1;
	[sflag:s0] =	ssyncset.done @!p0 $0x0  }
0xc7: {  	[sflag:s0] =	ssyncadd.s32 @!p0 s1  }
0xc8: {  	[bflag:$0x3] =	sbarrier.arrive $0xFFFF  }
0xc9: {  	_ =	shalt  }

// kernel: sparse-core-data-format-call.cloned.1.call-start
scs
called_computation_lowered:
.L_overlay_start_0:
0x0: {  	s2 =	sld [smem:$0x3FD9]  }
0x1: {  	s3 =	sld [smem:$0x3FFE];
	_ =	sdelay $0x1  }
0x2: {  	s1 =	srdreg.scid  }
0x3: {  	s0 =	sand.u32 $0x1, s1  }
0x4: {  	s18 =	sshll.u32 s0, $0xA;
	s2 =	sadd.s32 s3, s2  }
0x5: {  	s2 =	sadd.s32 s2, s18  }
0x6: {  	[smem:$0x3FC5] =	sst s2  }
0x7: {  	_ = 	snop  }
0x8: {  	s2 =	sld [smem:$0x3FD0];
	(tm) =	ssettm $0x1  }
0x9: {  	s19 =	sld [smem:$0x3FFB];
	_ =	sdelay $0x3  }
0xa: {  	_ =	strace s19  }
0xb: {  	s3 =	sld [smem:$0x3FFC];
	_ =	sdelay $0x3  }
0xc: {  	_ =	strace s3  }
0xd: {  	s3 =	sld [smem:$0x3FFD];
	_ =	sdelay $0x3  }
0xe: {  	_ =	strace s3  }
0xf: {  	_ =	strace $0x8FFFFFFF  }
0x10: {  	s20 =	sld [smem:$0x3FDB];
	_ =	sdelay $0x1  }
0x11: {  	s4 =	simm.s32 $_scs_section_size  }
0x12: {  	s5 =	simm.s32 $_size__tile_overlayer_lowered;
	s6 =	simm.s32 $_tile_overlayer_lowered  }
0x13: {  	s23 =	simm.s32 $0x1BFF;
	s22 =	sshll.u32 s6, $0x1;
	s3 =	sadd.s32 s4, s20  }
0x14: {  	s7 =	simm.s32 $0x0;
	s21 =	sshll.u32 s5, $0x1;
	s5 =	sadd.s32 s22, s3  }
0x15: {  	[timem:s7], [sflag:s23] =	dma.local [hbm:s5], s21  }
0x16: {  	_ =	swait.ge [sflag:s23], s21  }
0x17: {  	s4 =	ssub.s32 $0x0, s21;
	[sflag:s23] =	ssyncset.done $0x0  }
0x18: {  	[sflag:s23] =	ssyncadd.s32 s4;
	_ =	sdelay $0x1  }
0x19: {  	s24 =	simm.s32 $0x1B8B  }
0x1a: {  	_ =	swait.ge [sflag:s24], $0x1  }
0x1b: {  	[sflag:s24] =	ssyncset.done $0x0  }
0x1c: {  	s26 =	simm.s32 $0x1B8E;
	s25 =	sld [smem:$0x3FFE];
	[sflag:s24] =	ssyncadd.s32 $0xFFFFFFFF  }
0x1d: {  	s27 =	simm.s32 $execute0_lowered;
	[smem:$0x3FD2] =	sst s26  }
0x1e: {  	s5 =	sshll.u32 s27, $0x1;
	_ =	strace $0x80000049;
	[dreg:$0x1] =	wrdreg $0xFFFFFFFF  }
0x1f: {  	s28 =	simm.s32 $_size_execute0_lowered;
	s3 =	sadd.s32 s3, s5;
	[dreg:$0x0] =	wrdreg $0x0  }
0x20: {  	s5 =	sshll.u32 s28, $0x1;
	[dreg:$0x2] =	wrdreg s3  }
0x21: {  	[dreg:$0x3] =	wrdreg s5  }
0x22: {  	[dreg:$0x4] =	wrdreg $0xC0  }
0x23: {  	_ =	task [dreg:s7], $0x5FFFF  }
0x24: {  	[dreg:$0x1] =	wrdreg $0xFFFFFFFF  }
0x25: {  	[dreg:$0x0] =	wrdreg $0x60  }
0x26: {  	[dreg:$0x2] =	wrdreg s25  }
0x27: {  	[dreg:$0x3] =	wrdreg s2  }
0x28: {  	[dreg:$0x4] =	wrdreg $0x9  }
0x29: {  	_ =	task.clear_ibuf [dreg:s7], $0x5FFFF;
	_ =	strace $0x90000049  }
0x2a: {  	s29 =	simm.s32 $0x9;
	_ =	strace $0x8000004B  }
0x2b: {  	_ =	swait.ge [sflag:s29], $0x1  }
0x2c: {  	[sflag:s29] =	ssyncadd.s32 $0xFFFFFFFF  }
0x2d: {  	_ =	strace $0x9000004B  }
0x2e: {  	_ =	sfence  }
0x2f: {  	s30 =	sld [smem:$0x0];
	_ =	sdelay $0x2  }
0x30: {  	s31 =	sshll.u32 s1, $0xD;
	s1 =	sshrl.u32 s1, $0x2  }
0x31: {  	s3 =	sand.u32 $0x4000, s31;
	s1 =	sadd.s32 s1, s30  }
0x32: {  	s0 =	sor.u32 s3, s0;
	s1 =	sshll.u32 s1, $0x11  }
0x33: {  	s0 =	sor.u32 s1, s0  }
0x34: {  	s0 =	sadd.s32 $0x8F2B, s0  }
0x35: {  	[sflag:s0] =	ssyncadd.remote.s32 $0x1  }
0x36: {  	_ =	sfence.sel $0xFFFF  }
0x37: {  	[dreg:$0x0] =	wrdreg $0xFFFFFFFF;
	(pc) =	sbr.abs _section_cstart, $3  }
0x38: {  	[dreg:$0x1] =	wrdreg $0xFFFFFFFF  }
0x39: {  	_ =	task.clear_ibuf [dreg:s7], $0x2FFFF;
	_ =	strace $0x9FFFFFFF  }
0x3a: {  	(tm) =	ssettm $0x7FFFFFFF  }
0x3b: {  	_ =	shalt  }
tec
execute0_lowered:
.L_overlay_start_1:
0x0: {  	(tag) =	ssettag $0x1  }
0x1: {  	s0 =	srdreg.scid  }
0x2: {  	s1 =	sshll.u32 s0, $0x4  }
0x3: {  	s0 =	stileid.u32;
	s1 =	sand.u32 $0x10, s1  }
0x4: {  	s1 =	sor.u32 s0, s1  }
0x5: {  	s6 =	rddreg [dreg:$0x0];
	s4 =	simm.s32 $0x1;
	s2 =	sshll.u32 s1, $0x7  }
0x6: {  	s7 =	simm.s32 $0x2;
	s12 =	simm.s32 $0x0;
	s1 =	ssub.s32 $0x4000, s2  }
0x7: {  	s8 =	simm.s32 $0x20000;
	s13 =	simm.s32 $0x0;
	s3 =	sand.u32 $0xF80, s1  }
0x8: {  	s9 =	simm.s32 $0x0;
	s5 =	sshrl.u32 s1, $0xC;
	p0 =	sne.s32 s3, $0x0  }
.Ltmp0:
0x9: {  	s1 =	rddreg [dreg:$0x2];
	s4 =	simm.s32 @!p0 $0x0;
	(pc) =	sbr.rel .LBB1_1-.Ltmp0, $4  }
0xa: {  	s11 =	simm.s32 $0x0;
	s3 =	rddreg [dreg:$0x1];
	s5 =	sadd.s32 s4, s5  }
0xb: {  	_ =	strace $0x8000004A;
	s4 =	simm.s32 $0x1;
	s5 =	smul.u32 $0x1A, s5  }
0xc: {  	s6 =	sadd.s32 $0xA00, s6;
	s10 =	smov.u32 s2;
	[sflag:s4] =	ssyncpa.u1 $0x0  }
0xd: {  	p0 =	por $0x0, $0x0;
	[sflag:s7] =	ssyncpa.u1 $0x0;
	s7 =	sor.u32 $0x1, s5  }
.LBB1_4:
0xe: {  	s16 =	sshll.u32 s13, $0x3;
	s17 =	sand.u32 $0x78, s13  }
0xf: {  	s30 =	sand.u32 $0x1F800, s13;
	s12 =	sshll.u32 s12, $0x11;
	s16 =	sand.u32 $0x3C00, s16  }
0x10: {  	[tilespmem:s15+$0x810 ss:$0x81] =	vst.msk $0xffff, v2;
	s31 =	sand.u32 $0x7, s13;
	s16 =	sor.u32 s17, s16;
	s17 =	sadd.s32 s3, s30  }
0x11: {  	[tilespmem:s15+$0x1020 ss:$0x81] =	vst.msk $0xffff, v0;
	s13 =	sshll.u32 s31, $0x12;
	s12 =	sadd.s32 s12, s17;
	s16 =	sshrl.u32 s16, $0x3  }
0x12: {  	[tilespmem:s15+$0x0 ss:$0x81] =	vst.msk $0xffff, v1;
	s13 =	sor.u32 $0x400, s13;
	s12 =	sadd.s32 s16, s12  }
0x13: {  	[hbm4b:s12+s13] =	stream.strided.scatter [tilespmem:s14], [sflag:$0x2], $0x2000, s8, s13, $0x20;
	[tilespmem:$0x8080] =	vst v63  }
.LBB1_5:
0x14: {  	s14 =	sadd.s32 $0x1, s9  }
0x15: {  	s12 =	sadd.s32 $0x1000, s10;
	s16 =	smov.u32 s10;
	p2 =	sgt.s32 s14, $0x19  }
0x16: {  	s16 =	smov.u32 @p2 s12  }
0x17: {  	s14 =	simm.s32 @p2 $0x0;
	p2 =	sgt.s32 s16, $0x3FFF  }
0x18: {  	s16 =	smov.u32 @p2 s2;
	p2 =	sne.s32 s11, s7  }
.Ltmp1:
0x19: {  	p1 =	slt.u32 s11, $0x2;
	(pc) =	sbr.rel @!p2 .LBB1_6-.Ltmp1, $4  }
0x1a: {  	s15 =	simm.s32 @!p1 $0x2  }
0x1b: {  	s13 =	smov.u32 s10;
	p0 =	por !p0, !p0;
	_ =	swait.ge @!p1 [sflag:s15], $0x2000  }
0x1c: {  	s12 =	smov.u32 s9;
	[sflag:s15] =	ssyncset.done @!p1 $0x0;
	s9 =	smov.u32 s14  }
0x1d: {  	s11 =	sadd.s32 $0x1, s11;
	[sflag:s15] =	ssyncadd.s32 @!p1 $0xFFFFE000;
	s10 =	smov.u32 s16  }
.LBB1_1:
0x1e: {  	p1 =	sge.u32 s11, s5  }
0x1f: {  	s31 =	sadd.s32 $0xFFFFFFFF, s11;
	s14 =	sxor.u32 @!p1 $0xFFFFFFFF, s11  }
0x20: {  	s15 =	sshll.u32 @!p1 s10, $0x9;
	s16 =	sshll.u32 @!p1 s9, $0x4;
	s17 =	simm.s32 @!p1 $0x1000  }
0x21: {  	s14 =	sshll.u32 @!p1 s14, $0xD;
	s16 =	sand.u32 @!p1 $0x1F0, s16;
	s15 =	sadd.s32 @!p1 s6, s15  }
0x22: {  	s14 =	sand.u32 @!p1 $0x2000, s14;
	s15 =	sadd.s32 @!p1 s16, s15;
	s16 =	simm.s32 @!p1 $0x40  }
0x23: {  	[tilespmem:s14], [sflag:$0x1] =	stream.strided.gather @!p1 [hbm4b:s15+s16], $0x2000, s17, s16, $0x38;
	[tilespmem:$0x8080] =	vst v63  }
0x24: {  	p1 =	sge.u32 s31, s5  }
.Ltmp2:
0x25: {  	_ = 	snop;
	(pc) =	sbr.rel @p1 .LBB1_5-.Ltmp2, $1  }
0x26: {  	_ =	sdelay $0x3  }
0x27: {  	s14 =	simm.s32 $0x1  }
0x28: {  	_ =	swait.ge [sflag:s4], $0x2000;
	s14 =	simm.s32 @!p0 $0x0  }
0x29: {  	[sflag:s4] =	ssyncset.done $0x0;
	s15 =	sshll.u32 s14, $0xD  }
0x2a: {  	[sflag:s4] =	ssyncadd.s32 $0xFFFFE000;
	s18 =	sor.u32 $0x20, s15  }
0x2b: {  	s14 =	smul.u32 $0x8100, s14;
	v3 =	vld [tilespmem:s18+$0x10]  }
0x2c: {  	s30 =	sand.u32 $0x1, s11;
	v2 =	vld [tilespmem:s18+$0xFFFFFFF0]  }
0x2d: {  	s15 =	smul.u32 $0x8100, s30;
	s14 =	sshrl.u32 s14, $0x2;
	v0 =	vld [tilespmem:s18+$0x0]  }
0x2e: {  	v1 =	vld [tilespmem:s18+$0xFFFFFFE0];
	s16 =	sor.u32 $0x4000, s14  }
0x2f: {  	s31 =	sshrl.u32 s15, $0x2;
	s15 =	sadd.s32 $0x0, s16  }
0x30: {  	s17 =	simm.s32 $0x4;
	s18 =	sadd.s32 $0x40, s18;
	s14 =	sor.u32 $0x4000, s31;
	[tilespmem:s15+$0x1830 ss:$0x81] =	vst.msk $0xffff, v3  }
.LBB1_3:
0x31: {  	v3 =	vld [tilespmem:s18+$0x10];
	p1 =	sne.s32 s17, $0x1FC;
	[tilespmem:s15+$0x810 ss:$0x81] =	vst.msk $0xffff, v2;
	s19 =	smov.u32 s17;
	s17 =	sadd.s32 $0x4, s17  }
.Ltmp3:
0x32: {  	v2 =	vld [tilespmem:s18+$0xFFFFFFF0];
	[tilespmem:s15+$0x1020 ss:$0x81] =	vst.msk $0xffff, v0;
	(pc) =	sbr.rel @p1 .LBB1_3-.Ltmp3, $4  }
0x33: {  	v0 =	vld [tilespmem:s18+$0x0];
	[tilespmem:s15+$0x0 ss:$0x81] =	vst.msk $0xffff, v1  }
0x34: {  	s15 =	sshra.s32 s19, $0x2;
	v1 =	vld [tilespmem:s18+$0xFFFFFFE0]  }
0x35: {  	s15 =	sadd.s32 s15, s16  }
0x36: {  	s18 =	sadd.s32 $0x40, s18;
	[tilespmem:s15+$0x1830 ss:$0x81] =	vst.msk $0xffff, v3  }
.Ltmp4:
0x37: {  	_ = 	snop;
	(pc) =	sbr.rel .LBB1_4-.Ltmp4, $1  }
0x38: {  	_ =	sdelay $0x3  }
.LBB1_6:
0x39: {  	_ =	sfence.sel $0x180000  }
0x3a: {  	s2 =	simm.s32 $0x1;
	[bflag:$0x0] =	sbarrier.arrive $0xFFFF  }
0x3b: {  	s31 =	simm.s32 $0x2;
	[sflag:s2] =	ssyncpa.u1 $0x1  }
0x3c: {  	[sflag:s31] =	ssyncpa.u1 $0x1  }
0x3d: {  	p0 =	sne.s32 s0, $0x0;
	_ =	strace $0x9000004A  }
0x3e: {  	s0 =	sadd.s32 @!p0 $0x100000, s1;
	[bflag:$0x2] =	sbarrier.arrive $0xFFFF  }
0x3f: {  	[sflag:s0] =	ssyncadd.tile.s32 @!p0 $0x1;
	_ =	shalt  }
.Lfunc_end1:
_tile_overlayer_lowered:
.L_overlay_start_2:
0x40: {  	(tag) =	ssettag $0x2  }
0x41: {  	s0 =	rddreg [dreg:$0x0];
	s2 =	stileid.u32  }
0x42: {  	s1 =	rddreg [dreg:$0x1];
	p0 =	sne.s32 s2, $0x0  }
0x43: {  	s3 =	rddreg [dreg:$0x2];
	[bflag:$0x3] =	sbarrier.arrive $0xFFFF;
	s2 =	simm.s32 @!p0 $0x1C01  }
0x44: {  	[timem:s3], [sflag:s2] =	dma.local @!p0 [hbm:s0], s1  }
0x45: {  	s0 =	simm.s32 @!p0 $0x1  }
0x46: {  	_ =	swait.ge @!p0 [sflag:s0], s1  }
0x47: {  	s1 =	ssub.s32 @!p0 $0x0, s1;
	[sflag:s0] =	ssyncset.done @!p0 $0x0  }
0x48: {  	[sflag:s0] =	ssyncadd.s32 @!p0 s1  }
0x49: {  	[bflag:$0x3] =	sbarrier.arrive $0xFFFF  }
0x4a: {  	_ =	shalt  }

</sc_bundles>
